<compile_context>
chip_gen: v7x
topology: tpu7x:2x2x1
jax: 0.10.2.dev20260603
libtpu: 0.0.44.dev20260713+nightly
codegen_flags: <defaults>
</compile_context>

<pallas_src>
import jax
import jax.numpy as jnp
from jax import lax
from jax.experimental import pallas as pl
from jax.experimental.pallas import tpu as pltpu
from jax.experimental.pallas import tpu_sc as plsc

K = 8
VOCAB = 4
HIDDEN = 128
BATCH = 4
SEQ = 8192
NPOS = BATCH * SEQ
NW = 32
POS_PER_W = NPOS // NW
CHUNK = 128
NCHUNK = POS_PER_W // CHUNK
W_PER_ROW = SEQ // POS_PER_W

PAD = 128


NBUF = 3


def _sc_body(ids_hbm, table_hbm, out_hbm, row_v, idx_refs, bufs, gsems, osems):
    cid = lax.axis_index("c")
    sid = lax.axis_index("s")
    wid = sid * 2 + cid
    row = wid // W_PER_ROW
    base = (wid % W_PER_ROW) * POS_PER_W

    z = jnp.zeros((16,), jnp.int32)
    for zo in range(0, PAD, 16):
        row_v[pl.ds(zo, 16)] = z
    row_v[pl.ds(PAD + SEQ, 16)] = z
    pltpu.sync_copy(ids_hbm.at[row], row_v.at[pl.ds(PAD, SEQ)])

    def _compute_idx(lo, hi):
        @plsc.parallel_loop(lo, hi, step=16)
        def _ibody(t):
            o = base + t + PAD - 3
            acc = row_v[pl.ds(o, 16)]
            for j in range(1, K):
                acc = acc * 4 + row_v[pl.ds(o + j, 16)]
            idx_refs[pl.ds(t, 16)] = acc

    def _gather(c):
        return pltpu.async_copy(
            table_hbm.at[idx_refs.at[pl.ds(c * CHUNK, CHUNK)]],
            bufs[c % NBUF], gsems[c % NBUF],
        )

    def _writeback(c):
        return pltpu.async_copy(
            bufs[c % NBUF],
            out_hbm.at[pl.ds(row * SEQ + base + c * CHUNK, CHUNK)],
            osems[c % NBUF],
        )

    gh = [None] * NCHUNK
    oh = [None] * NCHUNK
    _compute_idx(0, CHUNK)
    for c in range(NCHUNK):
        if c >= NBUF:
            oh[c - NBUF].wait()
        gh[c] = _gather(c)
        if c == 0:
            _compute_idx(CHUNK, POS_PER_W)
        if c >= 1:
            gh[c - 1].wait()
            oh[c - 1] = _writeback(c - 1)
    gh[NCHUNK - 1].wait()
    oh[NCHUNK - 1] = _writeback(NCHUNK - 1)
    for c in range(NCHUNK - NBUF, NCHUNK):
        oh[c].wait()


@jax.jit
def _kmer_embed(input_ids, table):
    mesh = plsc.VectorSubcoreMesh(core_axis_name="c", subcore_axis_name="s")
    k = pl.kernel(
        _sc_body,
        out_type=jax.ShapeDtypeStruct((NPOS, HIDDEN), jnp.float32),
        mesh=mesh,
        scratch_types=[
            pltpu.VMEM((PAD + SEQ + 16,), jnp.int32),
            pltpu.VMEM((POS_PER_W,), jnp.int32),
            [pltpu.VMEM((CHUNK, HIDDEN), jnp.float32) for _ in range(NBUF)],
            [pltpu.SemaphoreType.DMA for _ in range(NBUF)],
            [pltpu.SemaphoreType.DMA for _ in range(NBUF)],
        ],
    )
    flat = k(input_ids, table)
    return flat.reshape(BATCH, SEQ, HIDDEN)


def kernel(input_ids, table):
    return _kmer_embed(input_ids, table)

# --- scband reference (transcript-rebuilt; emitter-appended) ---
"""Pipeline reference for scband-kmer-embedding-29326036697747 (READ-ONLY COPY).

The authoritative reference and input builder live on the scoring server;
editing this copy changes nothing except your own understanding.
"""

import jax, jax.numpy as jnp
import numpy as np

K = 8
VOCAB = 4
HIDDEN = 128
TABLE_SIZE = VOCAB ** K  # 65536


def _kmer_indices(input_ids):
    # torch sets conv_weight[0, 0, K - i - 1] = vocab_size ** i, i.e. w[j] = VOCAB ** (K - 1 - j)
    w = jnp.asarray(np.array([VOCAB ** (K - 1 - j) for j in range(K)], dtype=np.float32))
    x = input_ids.astype(jnp.float32)[:, None, :]  # B, 1, L
    # F.conv1d(padding='same') with even kernel K=8 pads (left=3, right=4)
    out = jax.lax.conv_general_dilated(
        x, w[None, None, :], window_strides=(1,), padding=[(3, 4)]
    )
    # .long() truncation; all values are exact integers < 2**24 so float32 is exact
    return out[:, 0, :].astype(jnp.int32)


def setup_inputs(seed: int = 0):
    key = jax.random.key(seed)
    k1, k2 = jax.random.split(key)
    input_ids = jax.random.randint(k1, (4, 8192), 0, VOCAB, dtype=jnp.int32)
    table = jax.random.normal(k2, (TABLE_SIZE, HIDDEN), dtype=jnp.float32) * 0.02
    return {"input_ids": input_ids, "table": table}


def reference(input_ids, table):
    idx = _kmer_indices(input_ids)
    return jnp.take(table, idx, axis=0)

if __name__ == "__main__":
    import jax
    _d = setup_inputs()
    print(jax.jit(kernel)(*tuple(_d.values())))

</pallas_src>

<mosaic_0001>
#map = affine_map<(d0, d1) -> (0, 0)>
module attributes {stable_mosaic.version = 14 : i64} {
  func.func @_sc_body(%arg0: i32, %arg1: i32, %arg2: memref<4x8192xi32, #tpu.memory_space<hbm>>, %arg3: memref<65536x128xf32, #tpu.memory_space<hbm>>, %arg4: memref<32768x128xf32, #tpu.memory_space<hbm>>, %arg5: memref<8336xi32, #tpu.memory_space<vmem>>, %arg6: memref<1024xi32, #tpu.memory_space<vmem>>, %arg7: memref<128x128xf32, #tpu.memory_space<vmem>>, %arg8: memref<128x128xf32, #tpu.memory_space<vmem>>, %arg9: memref<128x128xf32, #tpu.memory_space<vmem>>, %arg10: memref<!tpu.dma_semaphore, #tpu.memory_space<semaphore_mem>>, %arg11: memref<!tpu.dma_semaphore, #tpu.memory_space<semaphore_mem>>, %arg12: memref<!tpu.dma_semaphore, #tpu.memory_space<semaphore_mem>>, %arg13: memref<!tpu.dma_semaphore, #tpu.memory_space<semaphore_mem>>, %arg14: memref<!tpu.dma_semaphore, #tpu.memory_space<semaphore_mem>>, %arg15: memref<!tpu.dma_semaphore, #tpu.memory_space<semaphore_mem>>) attributes {dimension_semantics = [#tpu.dimension_semantics<core_parallel>, #tpu.dimension_semantics<subcore_parallel>], iteration_bounds = array<i64: 2, 16>, scalar_prefetch = 0 : i64, scratch_operands = 11 : i64, tpu.core_type = #tpu.core_type<sc_vector_subcore>, window_params = [{transform_indices = #map}, {transform_indices = #map}, {transform_indices = #map}]} {
    %mul3A = arith.constant 2 : i32
    %mul3A_0 = arith.muli %arg1, %mul3A : i32
    %add3A = arith.addi %mul3A_0, %arg0 : i32
    %jit3A = arith.constant 8 : i32
    %div3A = arith.divsi %add3A, %jit3A : i32
    %sign3A = arith.constant 0 : i32
    %sign3A_1 = arith.cmpi sgt, %add3A, %sign3A : i32
    %sign3A_2 = arith.extui %sign3A_1 : i1 to i32
    %sign3A_3 = arith.constant 0 : i32
    %sign3A_4 = arith.cmpi slt, %add3A, %sign3A_3 : i32
    %sign3A_5 = arith.extui %sign3A_4 : i1 to i32
    %sign3A_6 = arith.subi %sign3A_2, %sign3A_5 : i32
    %sign3A_7 = arith.constant 0 : i32
    %sign3A_8 = arith.cmpi sgt, %jit3A, %sign3A_7 : i32
    %sign3A_9 = arith.extui %sign3A_8 : i1 to i32
    %sign3A_10 = arith.constant 0 : i32
    %sign3A_11 = arith.cmpi slt, %jit3A, %sign3A_10 : i32
    %sign3A_12 = arith.extui %sign3A_11 : i1 to i32
    %sign3A_13 = arith.subi %sign3A_9, %sign3A_12 : i32
    %ne3A = arith.cmpi ne, %sign3A_6, %sign3A_13 : i32
    %rem3A = arith.remsi %add3A, %jit3A : i32
    %ne3A_14 = arith.constant 0 : i32
    %ne3A_15 = arith.cmpi ne, %rem3A, %ne3A_14 : i32
    %and3A = arith.andi %ne3A, %ne3A_15 : i1
    %sub3A = arith.constant 1 : i32
    %sub3A_16 = arith.subi %div3A, %sub3A : i32
    %select_n3A = arith.select %and3A, %sub3A_16, %div3A : i32
    %jit3A_17 = arith.constant 8 : i32
    %eq3A = arith.constant 0 : i32
    %eq3A_18 = arith.cmpi eq, %jit3A_17, %eq3A : i32
    %jit3A_19 = arith.constant 1 : i32
    %select_n3A_20 = arith.select %eq3A_18, %jit3A_19, %jit3A_17 : i32
    %rem3A_21 = arith.remsi %add3A, %select_n3A_20 : i32
    %ne3A_22 = arith.constant 0 : i32
    %ne3A_23 = arith.cmpi ne, %rem3A_21, %ne3A_22 : i32
    %lt3A = arith.constant 0 : i32
    %lt3A_24 = arith.cmpi slt, %rem3A_21, %lt3A : i32
    %lt3A_25 = arith.constant 0 : i32
    %lt3A_26 = arith.cmpi slt, %select_n3A_20, %lt3A_25 : i32
    %ne3A_27 = arith.xori %lt3A_24, %lt3A_26 : i1
    %and3A_28 = arith.andi %ne3A_27, %ne3A_23 : i1
    %add3A_29 = arith.addi %rem3A_21, %select_n3A_20 : i32
    %select_n3A_30 = arith.select %and3A_28, %add3A_29, %rem3A_21 : i32
    %mul3A_31 = arith.constant 1024 : i32
    %mul3A_32 = arith.muli %select_n3A_30, %mul3A_31 : i32
    %broadcast_in_dim3A = arith.constant 0 : i32
    %broadcast_in_dim3A_33 = vector.broadcast %broadcast_in_dim3A : i32 to vector<16xi32>
    %swap3A = arith.constant 0 : index
    %swap3A_34 = tpu.vector_load %arg5[%swap3A] {strides = array<i32>} : memref<8336xi32, #tpu.memory_space<vmem>>, vector<16xi32>,
    %swap3A_35 = vector.shape_cast %swap3A_34 : vector<16xi32> to vector<16xi32>
    %swap3A_36 = vector.shape_cast %broadcast_in_dim3A_33 : vector<16xi32> to vector<16xi32>
    tpu.vector_store %arg5[%swap3A], %swap3A_36 {strides = array<i32>} : memref<8336xi32, #tpu.memory_space<vmem>>, vector<16xi32>,
    %swap3A_37 = arith.constant 16 : index
    %swap3A_38 = tpu.vector_load %arg5[%swap3A_37] {strides = array<i32>} : memref<8336xi32, #tpu.memory_space<vmem>>, vector<16xi32>,
    %swap3A_39 = vector.shape_cast %swap3A_38 : vector<16xi32> to vector<16xi32>
    %swap3A_40 = vector.shape_cast %broadcast_in_dim3A_33 : vector<16xi32> to vector<16xi32>
    tpu.vector_store %arg5[%swap3A_37], %swap3A_40 {strides = array<i32>} : memref<8336xi32, #tpu.memory_space<vmem>>, vector<16xi32>,
    %swap3A_41 = arith.constant 32 : index
    %swap3A_42 = tpu.vector_load %arg5[%swap3A_41] {strides = array<i32>} : memref<8336xi32, #tpu.memory_space<vmem>>, vector<16xi32>,
    %swap3A_43 = vector.shape_cast %swap3A_42 : vector<16xi32> to vector<16xi32>
    %swap3A_44 = vector.shape_cast %broadcast_in_dim3A_33 : vector<16xi32> to vector<16xi32>
    tpu.vector_store %arg5[%swap3A_41], %swap3A_44 {strides = array<i32>} : memref<8336xi32, #tpu.memory_space<vmem>>, vector<16xi32>,
    %swap3A_45 = arith.constant 48 : index
    %swap3A_46 = tpu.vector_load %arg5[%swap3A_45] {strides = array<i32>} : memref<8336xi32, #tpu.memory_space<vmem>>, vector<16xi32>,
    %swap3A_47 = vector.shape_cast %swap3A_46 : vector<16xi32> to vector<16xi32>
    %swap3A_48 = vector.shape_cast %broadcast_in_dim3A_33 : vector<16xi32> to vector<16xi32>
    tpu.vector_store %arg5[%swap3A_45], %swap3A_48 {strides = array<i32>} : memref<8336xi32, #tpu.memory_space<vmem>>, vector<16xi32>,
    %swap3A_49 = arith.constant 64 : index
    %swap3A_50 = tpu.vector_load %arg5[%swap3A_49] {strides = array<i32>} : memref<8336xi32, #tpu.memory_space<vmem>>, vector<16xi32>,
    %swap3A_51 = vector.shape_cast %swap3A_50 : vector<16xi32> to vector<16xi32>
    %swap3A_52 = vector.shape_cast %broadcast_in_dim3A_33 : vector<16xi32> to vector<16xi32>
    tpu.vector_store %arg5[%swap3A_49], %swap3A_52 {strides = array<i32>} : memref<8336xi32, #tpu.memory_space<vmem>>, vector<16xi32>,
    %swap3A_53 = arith.constant 80 : index
    %swap3A_54 = tpu.vector_load %arg5[%swap3A_53] {strides = array<i32>} : memref<8336xi32, #tpu.memory_space<vmem>>, vector<16xi32>,
    %swap3A_55 = vector.shape_cast %swap3A_54 : vector<16xi32> to vector<16xi32>
    %swap3A_56 = vector.shape_cast %broadcast_in_dim3A_33 : vector<16xi32> to vector<16xi32>
    tpu.vector_store %arg5[%swap3A_53], %swap3A_56 {strides = array<i32>} : memref<8336xi32, #tpu.memory_space<vmem>>, vector<16xi32>,
    %swap3A_57 = arith.constant 96 : index
    %swap3A_58 = tpu.vector_load %arg5[%swap3A_57] {strides = array<i32>} : memref<8336xi32, #tpu.memory_space<vmem>>, vector<16xi32>,
    %swap3A_59 = vector.shape_cast %swap3A_58 : vector<16xi32> to vector<16xi32>
    %swap3A_60 = vector.shape_cast %broadcast_in_dim3A_33 : vector<16xi32> to vector<16xi32>
    tpu.vector_store %arg5[%swap3A_57], %swap3A_60 {strides = array<i32>} : memref<8336xi32, #tpu.memory_space<vmem>>, vector<16xi32>,
    %swap3A_61 = arith.constant 112 : index
    %swap3A_62 = tpu.vector_load %arg5[%swap3A_61] {strides = array<i32>} : memref<8336xi32, #tpu.memory_space<vmem>>, vector<16xi32>,
    %swap3A_63 = vector.shape_cast %swap3A_62 : vector<16xi32> to vector<16xi32>
    %swap3A_64 = vector.shape_cast %broadcast_in_dim3A_33 : vector<16xi32> to vector<16xi32>
    tpu.vector_store %arg5[%swap3A_61], %swap3A_64 {strides = array<i32>} : memref<8336xi32, #tpu.memory_space<vmem>>, vector<16xi32>,
    %swap3A_65 = arith.constant 8320 : index
    %swap3A_66 = tpu.vector_load %arg5[%swap3A_65] {strides = array<i32>} : memref<8336xi32, #tpu.memory_space<vmem>>, vector<16xi32>,
    %swap3A_67 = vector.shape_cast %swap3A_66 : vector<16xi32> to vector<16xi32>
    %swap3A_68 = vector.shape_cast %broadcast_in_dim3A_33 : vector<16xi32> to vector<16xi32>
    tpu.vector_store %arg5[%swap3A_65], %swap3A_68 {strides = array<i32>} : memref<8336xi32, #tpu.memory_space<vmem>>, vector<16xi32>,
    "tpu.region"() ({
      %run_scoped3A = tpu.sem_alloc : memref<!tpu.dma_semaphore, #tpu.memory_space<semaphore_mem>>
      %dma_start3A_256 = arith.constant 128 : i32
      %dma_start3A_257 = tpu.memref_slice %arg5[%dma_start3A_256] : memref<8336xi32, #tpu.memory_space<vmem>> -> memref<8192xi32, #tpu.memory_space<vmem>>
      %dma_start3A_258 = arith.constant 0 : i32
      %dma_start3A_259 = tpu.memref_slice %arg2[%select_n3A, %dma_start3A_258] : memref<4x8192xi32, #tpu.memory_space<hbm>> -> memref<1x8192xi32, #tpu.memory_space<hbm>>
      %dma_start3A_260 = tpu.memref_squeeze %dma_start3A_259 : memref<1x8192xi32, #tpu.memory_space<hbm>> -> memref<8192xi32, #tpu.memory_space<hbm>>
      %dma_start3A_261 = arith.constant 128 : i32
      %dma_start3A_262 = tpu.memref_slice %arg5[%dma_start3A_261] : memref<8336xi32, #tpu.memory_space<vmem>> -> memref<8192xi32, #tpu.memory_space<vmem>>
      %dma_start3A_263 = arith.constant 0 : i32
      %dma_start3A_264 = tpu.memref_slice %arg2[%select_n3A, %dma_start3A_263] : memref<4x8192xi32, #tpu.memory_space<hbm>> -> memref<1x8192xi32, #tpu.memory_space<hbm>>
      %dma_start3A_265 = tpu.memref_squeeze %dma_start3A_264 : memref<1x8192xi32, #tpu.memory_space<hbm>> -> memref<8192xi32, #tpu.memory_space<hbm>>
      tpu.enqueue_dma source(%dma_start3A_265 : memref<8192xi32, #tpu.memory_space<hbm>>) target(%dma_start3A_262 : memref<8192xi32, #tpu.memory_space<vmem>>) target_semaphore(%run_scoped3A : memref<!tpu.dma_semaphore, #tpu.memory_space<semaphore_mem>>)
      %dma_wait3A_266 = arith.constant 128 : i32
      %dma_wait3A_267 = tpu.memref_slice %arg5[%dma_wait3A_266] : memref<8336xi32, #tpu.memory_space<vmem>> -> memref<8192xi32, #tpu.memory_space<vmem>>
      %dma_wait3A_268 = arith.constant 0 : i32
      %dma_wait3A_269 = tpu.memref_slice %arg2[%select_n3A, %dma_wait3A_268] : memref<4x8192xi32, #tpu.memory_space<hbm>> -> memref<1x8192xi32, #tpu.memory_space<hbm>>
      %dma_wait3A_270 = tpu.memref_squeeze %dma_wait3A_269 : memref<1x8192xi32, #tpu.memory_space<hbm>> -> memref<8192xi32, #tpu.memory_space<hbm>>
      %dma_wait3A_271 = arith.constant 128 : i32
      %dma_wait3A_272 = tpu.memref_slice %arg5[%dma_wait3A_271] : memref<8336xi32, #tpu.memory_space<vmem>> -> memref<8192xi32, #tpu.memory_space<vmem>>
      %dma_wait3A_273 = arith.constant 0 : i32
      %dma_wait3A_274 = tpu.memref_slice %arg2[%select_n3A, %dma_wait3A_273] : memref<4x8192xi32, #tpu.memory_space<hbm>> -> memref<1x8192xi32, #tpu.memory_space<hbm>>
      %dma_wait3A_275 = tpu.memref_squeeze %dma_wait3A_274 : memref<1x8192xi32, #tpu.memory_space<hbm>> -> memref<8192xi32, #tpu.memory_space<hbm>>
      tpu.wait_dma2 semaphore(%run_scoped3A : memref<!tpu.dma_semaphore, #tpu.memory_space<semaphore_mem>>) src(%dma_wait3A_275 : memref<8192xi32, #tpu.memory_space<hbm>>) dst(%dma_wait3A_272 : memref<8192xi32, #tpu.memory_space<vmem>>)
      tpu.yield
    }) : () -> ()
    %parallel_loop3A = arith.constant 0 : i32
    %parallel_loop3A_69 = arith.constant 128 : i32
    %parallel_loop3A_70 = arith.constant 16 : i32
    scf.for %parallel_loop3A_256 = %parallel_loop3A to %parallel_loop3A_69 step %parallel_loop3A_70  : i32 {
      %parallel_loop3A_257 = arith.addi %mul3A_32, %parallel_loop3A_256 : i32
      %parallel_loop3A_258 = arith.constant 128 : i32
      %parallel_loop3A_259 = arith.addi %parallel_loop3A_257, %parallel_loop3A_258 : i32
      %parallel_loop3A_260 = arith.constant 3 : i32
      %parallel_loop3A_261 = arith.subi %parallel_loop3A_259, %parallel_loop3A_260 : i32
      %parallel_loop3A_262 = arith.index_cast %parallel_loop3A_261 : i32 to index
      %parallel_loop3A_263 = tpu.vector_load %arg5[%parallel_loop3A_262] {strides = array<i32>} : memref<8336xi32, #tpu.memory_space<vmem>>, vector<16xi32>,
      %parallel_loop3A_264 = vector.shape_cast %parallel_loop3A_263 : vector<16xi32> to vector<16xi32>
      %parallel_loop3A_265 = arith.constant 4 : i32
      %parallel_loop3A_266 = vector.broadcast %parallel_loop3A_265 : i32 to vector<16xi32>
      %parallel_loop3A_267 = arith.muli %parallel_loop3A_264, %parallel_loop3A_266 : vector<16xi32>
      %parallel_loop3A_268 = arith.constant 1 : i32
      %parallel_loop3A_269 = arith.addi %parallel_loop3A_261, %parallel_loop3A_268 : i32
      %parallel_loop3A_270 = arith.index_cast %parallel_loop3A_269 : i32 to index
      %parallel_loop3A_271 = tpu.vector_load %arg5[%parallel_loop3A_270] {strides = array<i32>} : memref<8336xi32, #tpu.memory_space<vmem>>, vector<16xi32>,
      %parallel_loop3A_272 = vector.shape_cast %parallel_loop3A_271 : vector<16xi32> to vector<16xi32>
      %parallel_loop3A_273 = arith.addi %parallel_loop3A_267, %parallel_loop3A_272 : vector<16xi32>
      %parallel_loop3A_274 = arith.constant 4 : i32
      %parallel_loop3A_275 = vector.broadcast %parallel_loop3A_274 : i32 to vector<16xi32>
      %parallel_loop3A_276 = arith.muli %parallel_loop3A_273, %parallel_loop3A_275 : vector<16xi32>
      %parallel_loop3A_277 = arith.constant 2 : i32
      %parallel_loop3A_278 = arith.addi %parallel_loop3A_261, %parallel_loop3A_277 : i32
      %parallel_loop3A_279 = arith.index_cast %parallel_loop3A_278 : i32 to index
      %parallel_loop3A_280 = tpu.vector_load %arg5[%parallel_loop3A_279] {strides = array<i32>} : memref<8336xi32, #tpu.memory_space<vmem>>, vector<16xi32>,
      %parallel_loop3A_281 = vector.shape_cast %parallel_loop3A_280 : vector<16xi32> to vector<16xi32>
      %parallel_loop3A_282 = arith.addi %parallel_loop3A_276, %parallel_loop3A_281 : vector<16xi32>
      %parallel_loop3A_283 = arith.constant 4 : i32
      %parallel_loop3A_284 = vector.broadcast %parallel_loop3A_283 : i32 to vector<16xi32>
      %parallel_loop3A_285 = arith.muli %parallel_loop3A_282, %parallel_loop3A_284 : vector<16xi32>
      %parallel_loop3A_286 = arith.constant 3 : i32
      %parallel_loop3A_287 = arith.addi %parallel_loop3A_261, %parallel_loop3A_286 : i32
      %parallel_loop3A_288 = arith.index_cast %parallel_loop3A_287 : i32 to index
      %parallel_loop3A_289 = tpu.vector_load %arg5[%parallel_loop3A_288] {strides = array<i32>} : memref<8336xi32, #tpu.memory_space<vmem>>, vector<16xi32>,
      %parallel_loop3A_290 = vector.shape_cast %parallel_loop3A_289 : vector<16xi32> to vector<16xi32>
      %parallel_loop3A_291 = arith.addi %parallel_loop3A_285, %parallel_loop3A_290 : vector<16xi32>
      %parallel_loop3A_292 = arith.constant 4 : i32
      %parallel_loop3A_293 = vector.broadcast %parallel_loop3A_292 : i32 to vector<16xi32>
      %parallel_loop3A_294 = arith.muli %parallel_loop3A_291, %parallel_loop3A_293 : vector<16xi32>
      %parallel_loop3A_295 = arith.constant 4 : i32
      %parallel_loop3A_296 = arith.addi %parallel_loop3A_261, %parallel_loop3A_295 : i32
      %parallel_loop3A_297 = arith.index_cast %parallel_loop3A_296 : i32 to index
      %parallel_loop3A_298 = tpu.vector_load %arg5[%parallel_loop3A_297] {strides = array<i32>} : memref<8336xi32, #tpu.memory_space<vmem>>, vector<16xi32>,
      %parallel_loop3A_299 = vector.shape_cast %parallel_loop3A_298 : vector<16xi32> to vector<16xi32>
      %parallel_loop3A_300 = arith.addi %parallel_loop3A_294, %parallel_loop3A_299 : vector<16xi32>
      %parallel_loop3A_301 = arith.constant 4 : i32
      %parallel_loop3A_302 = vector.broadcast %parallel_loop3A_301 : i32 to vector<16xi32>
      %parallel_loop3A_303 = arith.muli %parallel_loop3A_300, %parallel_loop3A_302 : vector<16xi32>
      %parallel_loop3A_304 = arith.constant 5 : i32
      %parallel_loop3A_305 = arith.addi %parallel_loop3A_261, %parallel_loop3A_304 : i32
      %parallel_loop3A_306 = arith.index_cast %parallel_loop3A_305 : i32 to index
      %parallel_loop3A_307 = tpu.vector_load %arg5[%parallel_loop3A_306] {strides = array<i32>} : memref<8336xi32, #tpu.memory_space<vmem>>, vector<16xi32>,
      %parallel_loop3A_308 = vector.shape_cast %parallel_loop3A_307 : vector<16xi32> to vector<16xi32>
      %parallel_loop3A_309 = arith.addi %parallel_loop3A_303, %parallel_loop3A_308 : vector<16xi32>
      %parallel_loop3A_310 = arith.constant 4 : i32
      %parallel_loop3A_311 = vector.broadcast %parallel_loop3A_310 : i32 to vector<16xi32>
      %parallel_loop3A_312 = arith.muli %parallel_loop3A_309, %parallel_loop3A_311 : vector<16xi32>
      %parallel_loop3A_313 = arith.constant 6 : i32
      %parallel_loop3A_314 = arith.addi %parallel_loop3A_261, %parallel_loop3A_313 : i32
      %parallel_loop3A_315 = arith.index_cast %parallel_loop3A_314 : i32 to index
      %parallel_loop3A_316 = tpu.vector_load %arg5[%parallel_loop3A_315] {strides = array<i32>} : memref<8336xi32, #tpu.memory_space<vmem>>, vector<16xi32>,
      %parallel_loop3A_317 = vector.shape_cast %parallel_loop3A_316 : vector<16xi32> to vector<16xi32>
      %parallel_loop3A_318 = arith.addi %parallel_loop3A_312, %parallel_loop3A_317 : vector<16xi32>
      %parallel_loop3A_319 = arith.constant 4 : i32
      %parallel_loop3A_320 = vector.broadcast %parallel_loop3A_319 : i32 to vector<16xi32>
      %parallel_loop3A_321 = arith.muli %parallel_loop3A_318, %parallel_loop3A_320 : vector<16xi32>
      %parallel_loop3A_322 = arith.constant 7 : i32
      %parallel_loop3A_323 = arith.addi %parallel_loop3A_261, %parallel_loop3A_322 : i32
      %parallel_loop3A_324 = arith.index_cast %parallel_loop3A_323 : i32 to index
      %parallel_loop3A_325 = tpu.vector_load %arg5[%parallel_loop3A_324] {strides = array<i32>} : memref<8336xi32, #tpu.memory_space<vmem>>, vector<16xi32>,
      %parallel_loop3A_326 = vector.shape_cast %parallel_loop3A_325 : vector<16xi32> to vector<16xi32>
      %parallel_loop3A_327 = arith.addi %parallel_loop3A_321, %parallel_loop3A_326 : vector<16xi32>
      %parallel_loop3A_328 = arith.index_cast %parallel_loop3A_256 : i32 to index
      %parallel_loop3A_329 = tpu.vector_load %arg6[%parallel_loop3A_328] {strides = array<i32>} : memref<1024xi32, #tpu.memory_space<vmem>>, vector<16xi32>,
      %parallel_loop3A_330 = vector.shape_cast %parallel_loop3A_329 : vector<16xi32> to vector<16xi32>
      %parallel_loop3A_331 = vector.shape_cast %parallel_loop3A_327 : vector<16xi32> to vector<16xi32>
      tpu.vector_store %arg6[%parallel_loop3A_328], %parallel_loop3A_331 {strides = array<i32>} : memref<1024xi32, #tpu.memory_space<vmem>>, vector<16xi32>,
    } {sc.loop_unroll_factor = 1 : i64, sc.parallel_access}
    %dma_start3A = arith.constant 0 : i32
    %dma_start3A_71 = tpu.memref_slice %arg6[%dma_start3A] : memref<1024xi32, #tpu.memory_space<vmem>> -> memref<128xi32, #tpu.memory_space<vmem>>
    %dma_start3A_72 = arith.constant 0 : i32
    %dma_start3A_73 = arith.constant 0 : i32
    %dma_start3A_74 = tpu.memref_slice %arg3[%dma_start3A_72, %dma_start3A_73] : memref<65536x128xf32, #tpu.memory_space<hbm>> -> memref<65536x128xf32, #tpu.memory_space<hbm>>
    tpu.enqueue_indirect_dma source(%dma_start3A_74 : memref<65536x128xf32, #tpu.memory_space<hbm>>) target(%arg7 : memref<128x128xf32, #tpu.memory_space<vmem>>) offsets(%dma_start3A_71 : memref<128xi32, #tpu.memory_space<vmem>>) semaphore(%arg10 : memref<!tpu.dma_semaphore, #tpu.memory_space<semaphore_mem>>)
    %parallel_loop3A_75 = arith.constant 128 : i32
    %parallel_loop3A_76 = arith.constant 1024 : i32
    %parallel_loop3A_77 = arith.constant 16 : i32
    scf.for %parallel_loop3A_256 = %parallel_loop3A_75 to %parallel_loop3A_76 step %parallel_loop3A_77  : i32 {
      %parallel_loop3A_257 = arith.addi %mul3A_32, %parallel_loop3A_256 : i32
      %parallel_loop3A_258 = arith.constant 128 : i32
      %parallel_loop3A_259 = arith.addi %parallel_loop3A_257, %parallel_loop3A_258 : i32
      %parallel_loop3A_260 = arith.constant 3 : i32
      %parallel_loop3A_261 = arith.subi %parallel_loop3A_259, %parallel_loop3A_260 : i32
      %parallel_loop3A_262 = arith.index_cast %parallel_loop3A_261 : i32 to index
      %parallel_loop3A_263 = tpu.vector_load %arg5[%parallel_loop3A_262] {strides = array<i32>} : memref<8336xi32, #tpu.memory_space<vmem>>, vector<16xi32>,
      %parallel_loop3A_264 = vector.shape_cast %parallel_loop3A_263 : vector<16xi32> to vector<16xi32>
      %parallel_loop3A_265 = arith.constant 4 : i32
      %parallel_loop3A_266 = vector.broadcast %parallel_loop3A_265 : i32 to vector<16xi32>
      %parallel_loop3A_267 = arith.muli %parallel_loop3A_264, %parallel_loop3A_266 : vector<16xi32>
      %parallel_loop3A_268 = arith.constant 1 : i32
      %parallel_loop3A_269 = arith.addi %parallel_loop3A_261, %parallel_loop3A_268 : i32
      %parallel_loop3A_270 = arith.index_cast %parallel_loop3A_269 : i32 to index
      %parallel_loop3A_271 = tpu.vector_load %arg5[%parallel_loop3A_270] {strides = array<i32>} : memref<8336xi32, #tpu.memory_space<vmem>>, vector<16xi32>,
      %parallel_loop3A_272 = vector.shape_cast %parallel_loop3A_271 : vector<16xi32> to vector<16xi32>
      %parallel_loop3A_273 = arith.addi %parallel_loop3A_267, %parallel_loop3A_272 : vector<16xi32>
      %parallel_loop3A_274 = arith.constant 4 : i32
      %parallel_loop3A_275 = vector.broadcast %parallel_loop3A_274 : i32 to vector<16xi32>
      %parallel_loop3A_276 = arith.muli %parallel_loop3A_273, %parallel_loop3A_275 : vector<16xi32>
      %parallel_loop3A_277 = arith.constant 2 : i32
      %parallel_loop3A_278 = arith.addi %parallel_loop3A_261, %parallel_loop3A_277 : i32
      %parallel_loop3A_279 = arith.index_cast %parallel_loop3A_278 : i32 to index
      %parallel_loop3A_280 = tpu.vector_load %arg5[%parallel_loop3A_279] {strides = array<i32>} : memref<8336xi32, #tpu.memory_space<vmem>>, vector<16xi32>,
      %parallel_loop3A_281 = vector.shape_cast %parallel_loop3A_280 : vector<16xi32> to vector<16xi32>
      %parallel_loop3A_282 = arith.addi %parallel_loop3A_276, %parallel_loop3A_281 : vector<16xi32>
      %parallel_loop3A_283 = arith.constant 4 : i32
      %parallel_loop3A_284 = vector.broadcast %parallel_loop3A_283 : i32 to vector<16xi32>
      %parallel_loop3A_285 = arith.muli %parallel_loop3A_282, %parallel_loop3A_284 : vector<16xi32>
      %parallel_loop3A_286 = arith.constant 3 : i32
      %parallel_loop3A_287 = arith.addi %parallel_loop3A_261, %parallel_loop3A_286 : i32
      %parallel_loop3A_288 = arith.index_cast %parallel_loop3A_287 : i32 to index
      %parallel_loop3A_289 = tpu.vector_load %arg5[%parallel_loop3A_288] {strides = array<i32>} : memref<8336xi32, #tpu.memory_space<vmem>>, vector<16xi32>,
      %parallel_loop3A_290 = vector.shape_cast %parallel_loop3A_289 : vector<16xi32> to vector<16xi32>
      %parallel_loop3A_291 = arith.addi %parallel_loop3A_285, %parallel_loop3A_290 : vector<16xi32>
      %parallel_loop3A_292 = arith.constant 4 : i32
      %parallel_loop3A_293 = vector.broadcast %parallel_loop3A_292 : i32 to vector<16xi32>
      %parallel_loop3A_294 = arith.muli %parallel_loop3A_291, %parallel_loop3A_293 : vector<16xi32>
      %parallel_loop3A_295 = arith.constant 4 : i32
      %parallel_loop3A_296 = arith.addi %parallel_loop3A_261, %parallel_loop3A_295 : i32
      %parallel_loop3A_297 = arith.index_cast %parallel_loop3A_296 : i32 to index
      %parallel_loop3A_298 = tpu.vector_load %arg5[%parallel_loop3A_297] {strides = array<i32>} : memref<8336xi32, #tpu.memory_space<vmem>>, vector<16xi32>,
      %parallel_loop3A_299 = vector.shape_cast %parallel_loop3A_298 : vector<16xi32> to vector<16xi32>
      %parallel_loop3A_300 = arith.addi %parallel_loop3A_294, %parallel_loop3A_299 : vector<16xi32>
      %parallel_loop3A_301 = arith.constant 4 : i32
      %parallel_loop3A_302 = vector.broadcast %parallel_loop3A_301 : i32 to vector<16xi32>
      %parallel_loop3A_303 = arith.muli %parallel_loop3A_300, %parallel_loop3A_302 : vector<16xi32>
      %parallel_loop3A_304 = arith.constant 5 : i32
      %parallel_loop3A_305 = arith.addi %parallel_loop3A_261, %parallel_loop3A_304 : i32
      %parallel_loop3A_306 = arith.index_cast %parallel_loop3A_305 : i32 to index
      %parallel_loop3A_307 = tpu.vector_load %arg5[%parallel_loop3A_306] {strides = array<i32>} : memref<8336xi32, #tpu.memory_space<vmem>>, vector<16xi32>,
      %parallel_loop3A_308 = vector.shape_cast %parallel_loop3A_307 : vector<16xi32> to vector<16xi32>
      %parallel_loop3A_309 = arith.addi %parallel_loop3A_303, %parallel_loop3A_308 : vector<16xi32>
      %parallel_loop3A_310 = arith.constant 4 : i32
      %parallel_loop3A_311 = vector.broadcast %parallel_loop3A_310 : i32 to vector<16xi32>
      %parallel_loop3A_312 = arith.muli %parallel_loop3A_309, %parallel_loop3A_311 : vector<16xi32>
      %parallel_loop3A_313 = arith.constant 6 : i32
      %parallel_loop3A_314 = arith.addi %parallel_loop3A_261, %parallel_loop3A_313 : i32
      %parallel_loop3A_315 = arith.index_cast %parallel_loop3A_314 : i32 to index
      %parallel_loop3A_316 = tpu.vector_load %arg5[%parallel_loop3A_315] {strides = array<i32>} : memref<8336xi32, #tpu.memory_space<vmem>>, vector<16xi32>,
      %parallel_loop3A_317 = vector.shape_cast %parallel_loop3A_316 : vector<16xi32> to vector<16xi32>
      %parallel_loop3A_318 = arith.addi %parallel_loop3A_312, %parallel_loop3A_317 : vector<16xi32>
      %parallel_loop3A_319 = arith.constant 4 : i32
      %parallel_loop3A_320 = vector.broadcast %parallel_loop3A_319 : i32 to vector<16xi32>
      %parallel_loop3A_321 = arith.muli %parallel_loop3A_318, %parallel_loop3A_320 : vector<16xi32>
      %parallel_loop3A_322 = arith.constant 7 : i32
      %parallel_loop3A_323 = arith.addi %parallel_loop3A_261, %parallel_loop3A_322 : i32
      %parallel_loop3A_324 = arith.index_cast %parallel_loop3A_323 : i32 to index
      %parallel_loop3A_325 = tpu.vector_load %arg5[%parallel_loop3A_324] {strides = array<i32>} : memref<8336xi32, #tpu.memory_space<vmem>>, vector<16xi32>,
      %parallel_loop3A_326 = vector.shape_cast %parallel_loop3A_325 : vector<16xi32> to vector<16xi32>
      %parallel_loop3A_327 = arith.addi %parallel_loop3A_321, %parallel_loop3A_326 : vector<16xi32>
      %parallel_loop3A_328 = arith.index_cast %parallel_loop3A_256 : i32 to index
      %parallel_loop3A_329 = tpu.vector_load %arg6[%parallel_loop3A_328] {strides = array<i32>} : memref<1024xi32, #tpu.memory_space<vmem>>, vector<16xi32>,
      %parallel_loop3A_330 = vector.shape_cast %parallel_loop3A_329 : vector<16xi32> to vector<16xi32>
      %parallel_loop3A_331 = vector.shape_cast %parallel_loop3A_327 : vector<16xi32> to vector<16xi32>
      tpu.vector_store %arg6[%parallel_loop3A_328], %parallel_loop3A_331 {strides = array<i32>} : memref<1024xi32, #tpu.memory_space<vmem>>, vector<16xi32>,
    } {sc.loop_unroll_factor = 1 : i64, sc.parallel_access}
    %dma_start3A_78 = arith.constant 128 : i32
    %dma_start3A_79 = tpu.memref_slice %arg6[%dma_start3A_78] : memref<1024xi32, #tpu.memory_space<vmem>> -> memref<128xi32, #tpu.memory_space<vmem>>
    %dma_start3A_80 = arith.constant 0 : i32
    %dma_start3A_81 = arith.constant 0 : i32
    %dma_start3A_82 = tpu.memref_slice %arg3[%dma_start3A_80, %dma_start3A_81] : memref<65536x128xf32, #tpu.memory_space<hbm>> -> memref<65536x128xf32, #tpu.memory_space<hbm>>
    tpu.enqueue_indirect_dma source(%dma_start3A_82 : memref<65536x128xf32, #tpu.memory_space<hbm>>) target(%arg8 : memref<128x128xf32, #tpu.memory_space<vmem>>) offsets(%dma_start3A_79 : memref<128xi32, #tpu.memory_space<vmem>>) semaphore(%arg11 : memref<!tpu.dma_semaphore, #tpu.memory_space<semaphore_mem>>)
    %dma_wait3A = arith.constant 0 : i32
    %dma_wait3A_83 = tpu.memref_slice %arg6[%dma_wait3A] : memref<1024xi32, #tpu.memory_space<vmem>> -> memref<128xi32, #tpu.memory_space<vmem>>
    %dma_wait3A_84 = arith.constant 0 : i32
    %dma_wait3A_85 = arith.constant 0 : i32
    %dma_wait3A_86 = tpu.memref_slice %arg3[%dma_wait3A_84, %dma_wait3A_85] : memref<65536x128xf32, #tpu.memory_space<hbm>> -> memref<65536x128xf32, #tpu.memory_space<hbm>>
    tpu.wait_indirect_dma semaphore(%arg10 : memref<!tpu.dma_semaphore, #tpu.memory_space<semaphore_mem>>) src(%dma_wait3A_86 : memref<65536x128xf32, #tpu.memory_space<hbm>>) dst(%arg7 : memref<128x128xf32, #tpu.memory_space<vmem>>)
    %mul3A_87 = arith.constant 8192 : i32
    %mul3A_88 = arith.muli %select_n3A, %mul3A_87 : i32
    %add3A_89 = arith.addi %mul3A_88, %mul3A_32 : i32
    %add3A_90 = arith.constant 0 : i32
    %add3A_91 = arith.addi %add3A_89, %add3A_90 : i32
    %dma_start3A_92 = arith.constant 0 : i32
    %dma_start3A_93 = tpu.memref_slice %arg4[%add3A_91, %dma_start3A_92] : memref<32768x128xf32, #tpu.memory_space<hbm>> -> memref<128x128xf32, #tpu.memory_space<hbm>>
    %dma_start3A_94 = arith.constant 0 : i32
    %dma_start3A_95 = tpu.memref_slice %arg4[%add3A_91, %dma_start3A_94] : memref<32768x128xf32, #tpu.memory_space<hbm>> -> memref<128x128xf32, #tpu.memory_space<hbm>>
    tpu.enqueue_dma source(%arg7 : memref<128x128xf32, #tpu.memory_space<vmem>>) target(%dma_start3A_95 : memref<128x128xf32, #tpu.memory_space<hbm>>) target_semaphore(%arg13 : memref<!tpu.dma_semaphore, #tpu.memory_space<semaphore_mem>>)
    %dma_start3A_96 = arith.constant 256 : i32
    %dma_start3A_97 = tpu.memref_slice %arg6[%dma_start3A_96] : memref<1024xi32, #tpu.memory_space<vmem>> -> memref<128xi32, #tpu.memory_space<vmem>>
    %dma_start3A_98 = arith.constant 0 : i32
    %dma_start3A_99 = arith.constant 0 : i32
    %dma_start3A_100 = tpu.memref_slice %arg3[%dma_start3A_98, %dma_start3A_99] : memref<65536x128xf32, #tpu.memory_space<hbm>> -> memref<65536x128xf32, #tpu.memory_space<hbm>>
    tpu.enqueue_indirect_dma source(%dma_start3A_100 : memref<65536x128xf32, #tpu.memory_space<hbm>>) target(%arg9 : memref<128x128xf32, #tpu.memory_space<vmem>>) offsets(%dma_start3A_97 : memref<128xi32, #tpu.memory_space<vmem>>) semaphore(%arg12 : memref<!tpu.dma_semaphore, #tpu.memory_space<semaphore_mem>>)
    %dma_wait3A_101 = arith.constant 128 : i32
    %dma_wait3A_102 = tpu.memref_slice %arg6[%dma_wait3A_101] : memref<1024xi32, #tpu.memory_space<vmem>> -> memref<128xi32, #tpu.memory_space<vmem>>
    %dma_wait3A_103 = arith.constant 0 : i32
    %dma_wait3A_104 = arith.constant 0 : i32
    %dma_wait3A_105 = tpu.memref_slice %arg3[%dma_wait3A_103, %dma_wait3A_104] : memref<65536x128xf32, #tpu.memory_space<hbm>> -> memref<65536x128xf32, #tpu.memory_space<hbm>>
    tpu.wait_indirect_dma semaphore(%arg11 : memref<!tpu.dma_semaphore, #tpu.memory_space<semaphore_mem>>) src(%dma_wait3A_105 : memref<65536x128xf32, #tpu.memory_space<hbm>>) dst(%arg8 : memref<128x128xf32, #tpu.memory_space<vmem>>)
    %mul3A_106 = arith.constant 8192 : i32
    %mul3A_107 = arith.muli %select_n3A, %mul3A_106 : i32
    %add3A_108 = arith.addi %mul3A_107, %mul3A_32 : i32
    %add3A_109 = arith.constant 128 : i32
    %add3A_110 = arith.addi %add3A_108, %add3A_109 : i32
    %dma_start3A_111 = arith.constant 0 : i32
    %dma_start3A_112 = tpu.memref_slice %arg4[%add3A_110, %dma_start3A_111] : memref<32768x128xf32, #tpu.memory_space<hbm>> -> memref<128x128xf32, #tpu.memory_space<hbm>>
    %dma_start3A_113 = arith.constant 0 : i32
    %dma_start3A_114 = tpu.memref_slice %arg4[%add3A_110, %dma_start3A_113] : memref<32768x128xf32, #tpu.memory_space<hbm>> -> memref<128x128xf32, #tpu.memory_space<hbm>>
    tpu.enqueue_dma source(%arg8 : memref<128x128xf32, #tpu.memory_space<vmem>>) target(%dma_start3A_114 : memref<128x128xf32, #tpu.memory_space<hbm>>) target_semaphore(%arg14 : memref<!tpu.dma_semaphore, #tpu.memory_space<semaphore_mem>>)
    %dma_wait3A_115 = arith.constant 0 : i32
    %dma_wait3A_116 = tpu.memref_slice %arg4[%add3A_91, %dma_wait3A_115] : memref<32768x128xf32, #tpu.memory_space<hbm>> -> memref<128x128xf32, #tpu.memory_space<hbm>>
    %dma_wait3A_117 = arith.constant 0 : i32
    %dma_wait3A_118 = tpu.memref_slice %arg4[%add3A_91, %dma_wait3A_117] : memref<32768x128xf32, #tpu.memory_space<hbm>> -> memref<128x128xf32, #tpu.memory_space<hbm>>
    tpu.wait_dma2 semaphore(%arg13 : memref<!tpu.dma_semaphore, #tpu.memory_space<semaphore_mem>>) src(%arg7 : memref<128x128xf32, #tpu.memory_space<vmem>>) dst(%dma_wait3A_118 : memref<128x128xf32, #tpu.memory_space<hbm>>)
    %dma_start3A_119 = arith.constant 384 : i32
    %dma_start3A_120 = tpu.memref_slice %arg6[%dma_start3A_119] : memref<1024xi32, #tpu.memory_space<vmem>> -> memref<128xi32, #tpu.memory_space<vmem>>
    %dma_start3A_121 = arith.constant 0 : i32
    %dma_start3A_122 = arith.constant 0 : i32
    %dma_start3A_123 = tpu.memref_slice %arg3[%dma_start3A_121, %dma_start3A_122] : memref<65536x128xf32, #tpu.memory_space<hbm>> -> memref<65536x128xf32, #tpu.memory_space<hbm>>
    tpu.enqueue_indirect_dma source(%dma_start3A_123 : memref<65536x128xf32, #tpu.memory_space<hbm>>) target(%arg7 : memref<128x128xf32, #tpu.memory_space<vmem>>) offsets(%dma_start3A_120 : memref<128xi32, #tpu.memory_space<vmem>>) semaphore(%arg10 : memref<!tpu.dma_semaphore, #tpu.memory_space<semaphore_mem>>)
    %dma_wait3A_124 = arith.constant 256 : i32
    %dma_wait3A_125 = tpu.memref_slice %arg6[%dma_wait3A_124] : memref<1024xi32, #tpu.memory_space<vmem>> -> memref<128xi32, #tpu.memory_space<vmem>>
    %dma_wait3A_126 = arith.constant 0 : i32
    %dma_wait3A_127 = arith.constant 0 : i32
    %dma_wait3A_128 = tpu.memref_slice %arg3[%dma_wait3A_126, %dma_wait3A_127] : memref<65536x128xf32, #tpu.memory_space<hbm>> -> memref<65536x128xf32, #tpu.memory_space<hbm>>
    tpu.wait_indirect_dma semaphore(%arg12 : memref<!tpu.dma_semaphore, #tpu.memory_space<semaphore_mem>>) src(%dma_wait3A_128 : memref<65536x128xf32, #tpu.memory_space<hbm>>) dst(%arg9 : memref<128x128xf32, #tpu.memory_space<vmem>>)
    %mul3A_129 = arith.constant 8192 : i32
    %mul3A_130 = arith.muli %select_n3A, %mul3A_129 : i32
    %add3A_131 = arith.addi %mul3A_130, %mul3A_32 : i32
    %add3A_132 = arith.constant 256 : i32
    %add3A_133 = arith.addi %add3A_131, %add3A_132 : i32
    %dma_start3A_134 = arith.constant 0 : i32
    %dma_start3A_135 = tpu.memref_slice %arg4[%add3A_133, %dma_start3A_134] : memref<32768x128xf32, #tpu.memory_space<hbm>> -> memref<128x128xf32, #tpu.memory_space<hbm>>
    %dma_start3A_136 = arith.constant 0 : i32
    %dma_start3A_137 = tpu.memref_slice %arg4[%add3A_133, %dma_start3A_136] : memref<32768x128xf32, #tpu.memory_space<hbm>> -> memref<128x128xf32, #tpu.memory_space<hbm>>
    tpu.enqueue_dma source(%arg9 : memref<128x128xf32, #tpu.memory_space<vmem>>) target(%dma_start3A_137 : memref<128x128xf32, #tpu.memory_space<hbm>>) target_semaphore(%arg15 : memref<!tpu.dma_semaphore, #tpu.memory_space<semaphore_mem>>)
    %dma_wait3A_138 = arith.constant 0 : i32
    %dma_wait3A_139 = tpu.memref_slice %arg4[%add3A_110, %dma_wait3A_138] : memref<32768x128xf32, #tpu.memory_space<hbm>> -> memref<128x128xf32, #tpu.memory_space<hbm>>
    %dma_wait3A_140 = arith.constant 0 : i32
    %dma_wait3A_141 = tpu.memref_slice %arg4[%add3A_110, %dma_wait3A_140] : memref<32768x128xf32, #tpu.memory_space<hbm>> -> memref<128x128xf32, #tpu.memory_space<hbm>>
    tpu.wait_dma2 semaphore(%arg14 : memref<!tpu.dma_semaphore, #tpu.memory_space<semaphore_mem>>) src(%arg8 : memref<128x128xf32, #tpu.memory_space<vmem>>) dst(%dma_wait3A_141 : memref<128x128xf32, #tpu.memory_space<hbm>>)
    %dma_start3A_142 = arith.constant 512 : i32
    %dma_start3A_143 = tpu.memref_slice %arg6[%dma_start3A_142] : memref<1024xi32, #tpu.memory_space<vmem>> -> memref<128xi32, #tpu.memory_space<vmem>>
    %dma_start3A_144 = arith.constant 0 : i32
    %dma_start3A_145 = arith.constant 0 : i32
    %dma_start3A_146 = tpu.memref_slice %arg3[%dma_start3A_144, %dma_start3A_145] : memref<65536x128xf32, #tpu.memory_space<hbm>> -> memref<65536x128xf32, #tpu.memory_space<hbm>>
    tpu.enqueue_indirect_dma source(%dma_start3A_146 : memref<65536x128xf32, #tpu.memory_space<hbm>>) target(%arg8 : memref<128x128xf32, #tpu.memory_space<vmem>>) offsets(%dma_start3A_143 : memref<128xi32, #tpu.memory_space<vmem>>) semaphore(%arg11 : memref<!tpu.dma_semaphore, #tpu.memory_space<semaphore_mem>>)
    %dma_wait3A_147 = arith.constant 384 : i32
    %dma_wait3A_148 = tpu.memref_slice %arg6[%dma_wait3A_147] : memref<1024xi32, #tpu.memory_space<vmem>> -> memref<128xi32, #tpu.memory_space<vmem>>
    %dma_wait3A_149 = arith.constant 0 : i32
    %dma_wait3A_150 = arith.constant 0 : i32
    %dma_wait3A_151 = tpu.memref_slice %arg3[%dma_wait3A_149, %dma_wait3A_150] : memref<65536x128xf32, #tpu.memory_space<hbm>> -> memref<65536x128xf32, #tpu.memory_space<hbm>>
    tpu.wait_indirect_dma semaphore(%arg10 : memref<!tpu.dma_semaphore, #tpu.memory_space<semaphore_mem>>) src(%dma_wait3A_151 : memref<65536x128xf32, #tpu.memory_space<hbm>>) dst(%arg7 : memref<128x128xf32, #tpu.memory_space<vmem>>)
    %mul3A_152 = arith.constant 8192 : i32
    %mul3A_153 = arith.muli %select_n3A, %mul3A_152 : i32
    %add3A_154 = arith.addi %mul3A_153, %mul3A_32 : i32
    %add3A_155 = arith.constant 384 : i32
    %add3A_156 = arith.addi %add3A_154, %add3A_155 : i32
    %dma_start3A_157 = arith.constant 0 : i32
    %dma_start3A_158 = tpu.memref_slice %arg4[%add3A_156, %dma_start3A_157] : memref<32768x128xf32, #tpu.memory_space<hbm>> -> memref<128x128xf32, #tpu.memory_space<hbm>>
    %dma_start3A_159 = arith.constant 0 : i32
    %dma_start3A_160 = tpu.memref_slice %arg4[%add3A_156, %dma_start3A_159] : memref<32768x128xf32, #tpu.memory_space<hbm>> -> memref<128x128xf32, #tpu.memory_space<hbm>>
    tpu.enqueue_dma source(%arg7 : memref<128x128xf32, #tpu.memory_space<vmem>>) target(%dma_start3A_160 : memref<128x128xf32, #tpu.memory_space<hbm>>) target_semaphore(%arg13 : memref<!tpu.dma_semaphore, #tpu.memory_space<semaphore_mem>>)
    %dma_wait3A_161 = arith.constant 0 : i32
    %dma_wait3A_162 = tpu.memref_slice %arg4[%add3A_133, %dma_wait3A_161] : memref<32768x128xf32, #tpu.memory_space<hbm>> -> memref<128x128xf32, #tpu.memory_space<hbm>>
    %dma_wait3A_163 = arith.constant 0 : i32
    %dma_wait3A_164 = tpu.memref_slice %arg4[%add3A_133, %dma_wait3A_163] : memref<32768x128xf32, #tpu.memory_space<hbm>> -> memref<128x128xf32, #tpu.memory_space<hbm>>
    tpu.wait_dma2 semaphore(%arg15 : memref<!tpu.dma_semaphore, #tpu.memory_space<semaphore_mem>>) src(%arg9 : memref<128x128xf32, #tpu.memory_space<vmem>>) dst(%dma_wait3A_164 : memref<128x128xf32, #tpu.memory_space<hbm>>)
    %dma_start3A_165 = arith.constant 640 : i32
    %dma_start3A_166 = tpu.memref_slice %arg6[%dma_start3A_165] : memref<1024xi32, #tpu.memory_space<vmem>> -> memref<128xi32, #tpu.memory_space<vmem>>
    %dma_start3A_167 = arith.constant 0 : i32
    %dma_start3A_168 = arith.constant 0 : i32
    %dma_start3A_169 = tpu.memref_slice %arg3[%dma_start3A_167, %dma_start3A_168] : memref<65536x128xf32, #tpu.memory_space<hbm>> -> memref<65536x128xf32, #tpu.memory_space<hbm>>
    tpu.enqueue_indirect_dma source(%dma_start3A_169 : memref<65536x128xf32, #tpu.memory_space<hbm>>) target(%arg9 : memref<128x128xf32, #tpu.memory_space<vmem>>) offsets(%dma_start3A_166 : memref<128xi32, #tpu.memory_space<vmem>>) semaphore(%arg12 : memref<!tpu.dma_semaphore, #tpu.memory_space<semaphore_mem>>)
    %dma_wait3A_170 = arith.constant 512 : i32
    %dma_wait3A_171 = tpu.memref_slice %arg6[%dma_wait3A_170] : memref<1024xi32, #tpu.memory_space<vmem>> -> memref<128xi32, #tpu.memory_space<vmem>>
    %dma_wait3A_172 = arith.constant 0 : i32
    %dma_wait3A_173 = arith.constant 0 : i32
    %dma_wait3A_174 = tpu.memref_slice %arg3[%dma_wait3A_172, %dma_wait3A_173] : memref<65536x128xf32, #tpu.memory_space<hbm>> -> memref<65536x128xf32, #tpu.memory_space<hbm>>
    tpu.wait_indirect_dma semaphore(%arg11 : memref<!tpu.dma_semaphore, #tpu.memory_space<semaphore_mem>>) src(%dma_wait3A_174 : memref<65536x128xf32, #tpu.memory_space<hbm>>) dst(%arg8 : memref<128x128xf32, #tpu.memory_space<vmem>>)
    %mul3A_175 = arith.constant 8192 : i32
    %mul3A_176 = arith.muli %select_n3A, %mul3A_175 : i32
    %add3A_177 = arith.addi %mul3A_176, %mul3A_32 : i32
    %add3A_178 = arith.constant 512 : i32
    %add3A_179 = arith.addi %add3A_177, %add3A_178 : i32
    %dma_start3A_180 = arith.constant 0 : i32
    %dma_start3A_181 = tpu.memref_slice %arg4[%add3A_179, %dma_start3A_180] : memref<32768x128xf32, #tpu.memory_space<hbm>> -> memref<128x128xf32, #tpu.memory_space<hbm>>
    %dma_start3A_182 = arith.constant 0 : i32
    %dma_start3A_183 = tpu.memref_slice %arg4[%add3A_179, %dma_start3A_182] : memref<32768x128xf32, #tpu.memory_space<hbm>> -> memref<128x128xf32, #tpu.memory_space<hbm>>
    tpu.enqueue_dma source(%arg8 : memref<128x128xf32, #tpu.memory_space<vmem>>) target(%dma_start3A_183 : memref<128x128xf32, #tpu.memory_space<hbm>>) target_semaphore(%arg14 : memref<!tpu.dma_semaphore, #tpu.memory_space<semaphore_mem>>)
    %dma_wait3A_184 = arith.constant 0 : i32
    %dma_wait3A_185 = tpu.memref_slice %arg4[%add3A_156, %dma_wait3A_184] : memref<32768x128xf32, #tpu.memory_space<hbm>> -> memref<128x128xf32, #tpu.memory_space<hbm>>
    %dma_wait3A_186 = arith.constant 0 : i32
    %dma_wait3A_187 = tpu.memref_slice %arg4[%add3A_156, %dma_wait3A_186] : memref<32768x128xf32, #tpu.memory_space<hbm>> -> memref<128x128xf32, #tpu.memory_space<hbm>>
    tpu.wait_dma2 semaphore(%arg13 : memref<!tpu.dma_semaphore, #tpu.memory_space<semaphore_mem>>) src(%arg7 : memref<128x128xf32, #tpu.memory_space<vmem>>) dst(%dma_wait3A_187 : memref<128x128xf32, #tpu.memory_space<hbm>>)
    %dma_start3A_188 = arith.constant 768 : i32
    %dma_start3A_189 = tpu.memref_slice %arg6[%dma_start3A_188] : memref<1024xi32, #tpu.memory_space<vmem>> -> memref<128xi32, #tpu.memory_space<vmem>>
    %dma_start3A_190 = arith.constant 0 : i32
    %dma_start3A_191 = arith.constant 0 : i32
    %dma_start3A_192 = tpu.memref_slice %arg3[%dma_start3A_190, %dma_start3A_191] : memref<65536x128xf32, #tpu.memory_space<hbm>> -> memref<65536x128xf32, #tpu.memory_space<hbm>>
    tpu.enqueue_indirect_dma source(%dma_start3A_192 : memref<65536x128xf32, #tpu.memory_space<hbm>>) target(%arg7 : memref<128x128xf32, #tpu.memory_space<vmem>>) offsets(%dma_start3A_189 : memref<128xi32, #tpu.memory_space<vmem>>) semaphore(%arg10 : memref<!tpu.dma_semaphore, #tpu.memory_space<semaphore_mem>>)
    %dma_wait3A_193 = arith.constant 640 : i32
    %dma_wait3A_194 = tpu.memref_slice %arg6[%dma_wait3A_193] : memref<1024xi32, #tpu.memory_space<vmem>> -> memref<128xi32, #tpu.memory_space<vmem>>
    %dma_wait3A_195 = arith.constant 0 : i32
    %dma_wait3A_196 = arith.constant 0 : i32
    %dma_wait3A_197 = tpu.memref_slice %arg3[%dma_wait3A_195, %dma_wait3A_196] : memref<65536x128xf32, #tpu.memory_space<hbm>> -> memref<65536x128xf32, #tpu.memory_space<hbm>>
    tpu.wait_indirect_dma semaphore(%arg12 : memref<!tpu.dma_semaphore, #tpu.memory_space<semaphore_mem>>) src(%dma_wait3A_197 : memref<65536x128xf32, #tpu.memory_space<hbm>>) dst(%arg9 : memref<128x128xf32, #tpu.memory_space<vmem>>)
    %mul3A_198 = arith.constant 8192 : i32
    %mul3A_199 = arith.muli %select_n3A, %mul3A_198 : i32
    %add3A_200 = arith.addi %mul3A_199, %mul3A_32 : i32
    %add3A_201 = arith.constant 640 : i32
    %add3A_202 = arith.addi %add3A_200, %add3A_201 : i32
    %dma_start3A_203 = arith.constant 0 : i32
    %dma_start3A_204 = tpu.memref_slice %arg4[%add3A_202, %dma_start3A_203] : memref<32768x128xf32, #tpu.memory_space<hbm>> -> memref<128x128xf32, #tpu.memory_space<hbm>>
    %dma_start3A_205 = arith.constant 0 : i32
    %dma_start3A_206 = tpu.memref_slice %arg4[%add3A_202, %dma_start3A_205] : memref<32768x128xf32, #tpu.memory_space<hbm>> -> memref<128x128xf32, #tpu.memory_space<hbm>>
    tpu.enqueue_dma source(%arg9 : memref<128x128xf32, #tpu.memory_space<vmem>>) target(%dma_start3A_206 : memref<128x128xf32, #tpu.memory_space<hbm>>) target_semaphore(%arg15 : memref<!tpu.dma_semaphore, #tpu.memory_space<semaphore_mem>>)
    %dma_wait3A_207 = arith.constant 0 : i32
    %dma_wait3A_208 = tpu.memref_slice %arg4[%add3A_179, %dma_wait3A_207] : memref<32768x128xf32, #tpu.memory_space<hbm>> -> memref<128x128xf32, #tpu.memory_space<hbm>>
    %dma_wait3A_209 = arith.constant 0 : i32
    %dma_wait3A_210 = tpu.memref_slice %arg4[%add3A_179, %dma_wait3A_209] : memref<32768x128xf32, #tpu.memory_space<hbm>> -> memref<128x128xf32, #tpu.memory_space<hbm>>
    tpu.wait_dma2 semaphore(%arg14 : memref<!tpu.dma_semaphore, #tpu.memory_space<semaphore_mem>>) src(%arg8 : memref<128x128xf32, #tpu.memory_space<vmem>>) dst(%dma_wait3A_210 : memref<128x128xf32, #tpu.memory_space<hbm>>)
    %dma_start3A_211 = arith.constant 896 : i32
    %dma_start3A_212 = tpu.memref_slice %arg6[%dma_start3A_211] : memref<1024xi32, #tpu.memory_space<vmem>> -> memref<128xi32, #tpu.memory_space<vmem>>
    %dma_start3A_213 = arith.constant 0 : i32
    %dma_start3A_214 = arith.constant 0 : i32
    %dma_start3A_215 = tpu.memref_slice %arg3[%dma_start3A_213, %dma_start3A_214] : memref<65536x128xf32, #tpu.memory_space<hbm>> -> memref<65536x128xf32, #tpu.memory_space<hbm>>
    tpu.enqueue_indirect_dma source(%dma_start3A_215 : memref<65536x128xf32, #tpu.memory_space<hbm>>) target(%arg8 : memref<128x128xf32, #tpu.memory_space<vmem>>) offsets(%dma_start3A_212 : memref<128xi32, #tpu.memory_space<vmem>>) semaphore(%arg11 : memref<!tpu.dma_semaphore, #tpu.memory_space<semaphore_mem>>)
    %dma_wait3A_216 = arith.constant 768 : i32
    %dma_wait3A_217 = tpu.memref_slice %arg6[%dma_wait3A_216] : memref<1024xi32, #tpu.memory_space<vmem>> -> memref<128xi32, #tpu.memory_space<vmem>>
    %dma_wait3A_218 = arith.constant 0 : i32
    %dma_wait3A_219 = arith.constant 0 : i32
    %dma_wait3A_220 = tpu.memref_slice %arg3[%dma_wait3A_218, %dma_wait3A_219] : memref<65536x128xf32, #tpu.memory_space<hbm>> -> memref<65536x128xf32, #tpu.memory_space<hbm>>
    tpu.wait_indirect_dma semaphore(%arg10 : memref<!tpu.dma_semaphore, #tpu.memory_space<semaphore_mem>>) src(%dma_wait3A_220 : memref<65536x128xf32, #tpu.memory_space<hbm>>) dst(%arg7 : memref<128x128xf32, #tpu.memory_space<vmem>>)
    %mul3A_221 = arith.constant 8192 : i32
    %mul3A_222 = arith.muli %select_n3A, %mul3A_221 : i32
    %add3A_223 = arith.addi %mul3A_222, %mul3A_32 : i32
    %add3A_224 = arith.constant 768 : i32
    %add3A_225 = arith.addi %add3A_223, %add3A_224 : i32
    %dma_start3A_226 = arith.constant 0 : i32
    %dma_start3A_227 = tpu.memref_slice %arg4[%add3A_225, %dma_start3A_226] : memref<32768x128xf32, #tpu.memory_space<hbm>> -> memref<128x128xf32, #tpu.memory_space<hbm>>
    %dma_start3A_228 = arith.constant 0 : i32
    %dma_start3A_229 = tpu.memref_slice %arg4[%add3A_225, %dma_start3A_228] : memref<32768x128xf32, #tpu.memory_space<hbm>> -> memref<128x128xf32, #tpu.memory_space<hbm>>
    tpu.enqueue_dma source(%arg7 : memref<128x128xf32, #tpu.memory_space<vmem>>) target(%dma_start3A_229 : memref<128x128xf32, #tpu.memory_space<hbm>>) target_semaphore(%arg13 : memref<!tpu.dma_semaphore, #tpu.memory_space<semaphore_mem>>)
    %dma_wait3A_230 = arith.constant 896 : i32
    %dma_wait3A_231 = tpu.memref_slice %arg6[%dma_wait3A_230] : memref<1024xi32, #tpu.memory_space<vmem>> -> memref<128xi32, #tpu.memory_space<vmem>>
    %dma_wait3A_232 = arith.constant 0 : i32
    %dma_wait3A_233 = arith.constant 0 : i32
    %dma_wait3A_234 = tpu.memref_slice %arg3[%dma_wait3A_232, %dma_wait3A_233] : memref<65536x128xf32, #tpu.memory_space<hbm>> -> memref<65536x128xf32, #tpu.memory_space<hbm>>
    tpu.wait_indirect_dma semaphore(%arg11 : memref<!tpu.dma_semaphore, #tpu.memory_space<semaphore_mem>>) src(%dma_wait3A_234 : memref<65536x128xf32, #tpu.memory_space<hbm>>) dst(%arg8 : memref<128x128xf32, #tpu.memory_space<vmem>>)
    %mul3A_235 = arith.constant 8192 : i32
    %mul3A_236 = arith.muli %select_n3A, %mul3A_235 : i32
    %add3A_237 = arith.addi %mul3A_236, %mul3A_32 : i32
    %add3A_238 = arith.constant 896 : i32
    %add3A_239 = arith.addi %add3A_237, %add3A_238 : i32
    %dma_start3A_240 = arith.constant 0 : i32
    %dma_start3A_241 = tpu.memref_slice %arg4[%add3A_239, %dma_start3A_240] : memref<32768x128xf32, #tpu.memory_space<hbm>> -> memref<128x128xf32, #tpu.memory_space<hbm>>
    %dma_start3A_242 = arith.constant 0 : i32
    %dma_start3A_243 = tpu.memref_slice %arg4[%add3A_239, %dma_start3A_242] : memref<32768x128xf32, #tpu.memory_space<hbm>> -> memref<128x128xf32, #tpu.memory_space<hbm>>
    tpu.enqueue_dma source(%arg8 : memref<128x128xf32, #tpu.memory_space<vmem>>) target(%dma_start3A_243 : memref<128x128xf32, #tpu.memory_space<hbm>>) target_semaphore(%arg14 : memref<!tpu.dma_semaphore, #tpu.memory_space<semaphore_mem>>)
    %dma_wait3A_244 = arith.constant 0 : i32
    %dma_wait3A_245 = tpu.memref_slice %arg4[%add3A_202, %dma_wait3A_244] : memref<32768x128xf32, #tpu.memory_space<hbm>> -> memref<128x128xf32, #tpu.memory_space<hbm>>
    %dma_wait3A_246 = arith.constant 0 : i32
    %dma_wait3A_247 = tpu.memref_slice %arg4[%add3A_202, %dma_wait3A_246] : memref<32768x128xf32, #tpu.memory_space<hbm>> -> memref<128x128xf32, #tpu.memory_space<hbm>>
    tpu.wait_dma2 semaphore(%arg15 : memref<!tpu.dma_semaphore, #tpu.memory_space<semaphore_mem>>) src(%arg9 : memref<128x128xf32, #tpu.memory_space<vmem>>) dst(%dma_wait3A_247 : memref<128x128xf32, #tpu.memory_space<hbm>>)
    %dma_wait3A_248 = arith.constant 0 : i32
    %dma_wait3A_249 = tpu.memref_slice %arg4[%add3A_225, %dma_wait3A_248] : memref<32768x128xf32, #tpu.memory_space<hbm>> -> memref<128x128xf32, #tpu.memory_space<hbm>>
    %dma_wait3A_250 = arith.constant 0 : i32
    %dma_wait3A_251 = tpu.memref_slice %arg4[%add3A_225, %dma_wait3A_250] : memref<32768x128xf32, #tpu.memory_space<hbm>> -> memref<128x128xf32, #tpu.memory_space<hbm>>
    tpu.wait_dma2 semaphore(%arg13 : memref<!tpu.dma_semaphore, #tpu.memory_space<semaphore_mem>>) src(%arg7 : memref<128x128xf32, #tpu.memory_space<vmem>>) dst(%dma_wait3A_251 : memref<128x128xf32, #tpu.memory_space<hbm>>)
    %dma_wait3A_252 = arith.constant 0 : i32
    %dma_wait3A_253 = tpu.memref_slice %arg4[%add3A_239, %dma_wait3A_252] : memref<32768x128xf32, #tpu.memory_space<hbm>> -> memref<128x128xf32, #tpu.memory_space<hbm>>
    %dma_wait3A_254 = arith.constant 0 : i32
    %dma_wait3A_255 = tpu.memref_slice %arg4[%add3A_239, %dma_wait3A_254] : memref<32768x128xf32, #tpu.memory_space<hbm>> -> memref<128x128xf32, #tpu.memory_space<hbm>>
    tpu.wait_dma2 semaphore(%arg14 : memref<!tpu.dma_semaphore, #tpu.memory_space<semaphore_mem>>) src(%arg8 : memref<128x128xf32, #tpu.memory_space<vmem>>) dst(%dma_wait3A_255 : memref<128x128xf32, #tpu.memory_space<hbm>>)
    return
  }
}

</mosaic_0001>

<sc_bundles>
// kernel: _kmer_embed.3.cloned.1.call-start
scs
__scs_entry_jumppad:
0x0: {  	(pc) =	sbr.rel $0x88, $3  }
0x1: {  	(tag) =	ssettag $0x0;
	lr =	simm.s32 $0x1  }
0x2: {  	[smem:$0x3F9F] =	sst lr;
	_ =	strace $0xD0000000  }
0x3: {  	_ = 	snop  }
0x4: {  	_ = 	snop  }
0x5: {  	_ = 	snop  }
0x6: {  	_ = 	snop  }
0x7: {  	_ = 	snop  }
__scs_overlays_trampoline_lowered:
0x8: {  	[smem:$0x3FAE] =	sst s0  }
0x9: {  	[smem:$0x3FAF] =	sst s1  }
0xa: {  	[smem:$0x3FB0] =	sst s2  }
0xb: {  	[smem:$0x3FB1] =	sst s3  }
0xc: {  	[smem:$0x3FB2] =	sst s4  }
0xd: {  	[smem:$0x3FB3] =	sst s5  }
0xe: {  	[smem:$0x3FB4] =	sst s6  }
0xf: {  	[smem:$0x3FB5] =	sst s7  }
0x10: {  	[smem:$0x3FB6] =	sst s8  }
0x11: {  	[smem:$0x3FB7] =	sst s9;
	s0 =	simm.s32 @!p0 $0x0  }
0x12: {  	s1 =	sld [smem:$0x3F9D];
	s0 =	simm.s32 @p0 $0x1  }
0x13: {  	[smem:$0x3FB8] =	sst s0;
	s0 =	simm.s32 @!p1 $0x0  }
0x14: {  	s2 =	sld [smem:$0x3F9C];
	s0 =	simm.s32 @p1 $0x1  }
0x15: {  	[smem:$0x3FB9] =	sst s0;
	s0 =	simm.s32 @!p2 $0x0  }
0x16: {  	s3 =	sld [smem:$0x3FDB];
	s0 =	simm.s32 @p2 $0x1  }
0x17: {  	s4 =	simm.s32 $0x1BF5;
	[smem:$0x3FBB] =	sst s0  }
0x18: {  	s0 =	sld [smem:$0x3F9E];
	_ =	swait.ge [sflag:s4], $0x0  }
0x19: {  	s7 =	sld [smem:$0x3F9F]  }
0x1a: {  	s8 =	sadd.s32 $0xFFFFE003, lr  }
0x1b: {  	s9 =	sadd.s32 $0xFFFFFEF7, lr;
	s5 =	simm.s32 $0xFFFFFFFF;
	p2 =	slt.u32 s8, $0xFFFFF086  }
0x1c: {  	p1 =	slt.u32 s9, $0xF7A;
	s5 =	simm.s32 @!p2 $0x0  }
0x1d: {  	s5 =	simm.s32 @p1 $0x1;
	p0 =	seq.s32 s7, s2  }
0x1e: {  	s7 =	smul.u32 @!p0 $0xF7A, s2;
	p2 =	seq.s32 @!p0 s5, $0x0  }
0x1f: {  	s9 =	smul.u32 $0xF7A, s1;
	s8 =	simm.s32 @!p0 $0x1BF5;
	p2 =	por !p2, p0  }
0x20: {  	[sflag:s8] =	ssyncset.s32 @!p0 $0xFFFFF086;
	s6 =	sadd.s32 @!p0 s3, s7;
	s7 =	simm.s32 @!p0 $0x108  }
0x21: {  	s3 =	sadd.s32 s3, s9;
	s6 =	sadd.s32 @!p0 $0x88, s6;
	s7 =	simm.s32 @p2 $0x1082  }
0x22: {  	[simem:s7], [sflag:s8] =	dma.local @!p0 [hbm:s6], $0xF7A  }
0x23: {  	s9 =	sor.u32 $0xD0000000, s2;
	s6 =	simm.s32 $0x108;
	_ =	swait.ge @!p0 [sflag:s8], $0x0  }
0x24: {  	s3 =	sadd.s32 $0x88, s3;
	s6 =	simm.s32 @!p1 $0x1082;
	[sflag:s4] =	ssyncset.s32 $0xFFFFF086  }
0x25: {  	[simem:s6], [sflag:s4] =	dma.local [hbm:s3], $0xF7A  }
0x26: {  	[smem:$0x3F9F] =	sst s1;
	(tag) =	ssettag s2;
	_ =	strace s9  }
0x27: {  	s1 =	sld [smem:$0x3FAF]  }
0x28: {  	s2 =	sld [smem:$0x3FB0]  }
0x29: {  	s4 =	sld [smem:$0x3FB2]  }
0x2a: {  	p0 =	seq.s32 s5, $0x0;
	s5 =	sld [smem:$0x3FB3]  }
0x2b: {  	s6 =	sld [smem:$0x3FB4]  }
0x2c: {  	s7 =	sld [smem:$0x3FB5]  }
0x2d: {  	s3 =	simm.s32 $0x108;
	s8 =	sld [smem:$0x3FB6]  }
0x2e: {  	s3 =	simm.s32 @!p0 $0x1082;
	s9 =	sld [smem:$0x3FB7]  }
0x2f: {  	lr =	sadd.s32 s0, s3;
	s0 =	sld [smem:$0x3FAE]  }
0x30: {  	s3 =	sld [smem:$0x3FB1]  }
0x31: {  	[smem:$0x3FBA] =	sst s10  }
0x32: {  	s10 =	sld [smem:$0x3FB8];
	_ =	sdelay $0x3  }
0x33: {  	p0 =	seq.s32 s10, $0x1;
	s10 =	sld [smem:$0x3FBA];
	_ =	sdelay $0x3  }
0x34: {  	[smem:$0x3FBA] =	sst s10  }
0x35: {  	s10 =	sld [smem:$0x3FB9];
	_ =	sdelay $0x3  }
0x36: {  	p1 =	seq.s32 s10, $0x1;
	s10 =	sld [smem:$0x3FBA];
	_ =	sdelay $0x3  }
0x37: {  	[smem:$0x3FBA] =	sst s10  }
0x38: {  	s10 =	sld [smem:$0x3FBB]  }
0x39: {  	_ = 	snop;
	(pc) =	sbr.ind lr, $3  }
0x3a: {  	_ = 	snop  }
0x3b: {  	_ = 	snop  }
0x3c: {  	p2 =	seq.s32 s10, $0x1;
	s10 =	sld [smem:$0x3FBA]  }
0x3d: {  	_ =	shalt  }
0x3e: {  	_ =	shalt  }
0x3f: {  	_ =	shalt  }
0x40: {  	_ =	shalt  }
0x41: {  	_ =	shalt  }
0x42: {  	_ =	shalt  }
0x43: {  	_ =	shalt  }
0x44: {  	_ =	shalt  }
0x45: {  	_ =	shalt  }
0x46: {  	_ =	shalt  }
0x47: {  	_ =	shalt  }
0x48: {  	_ =	shalt  }
0x49: {  	_ =	shalt  }
0x4a: {  	_ =	shalt  }
0x4b: {  	_ =	shalt  }
0x4c: {  	_ =	shalt  }
0x4d: {  	_ =	shalt  }
0x4e: {  	_ =	shalt  }
0x4f: {  	_ =	shalt  }
0x50: {  	_ =	shalt  }
0x51: {  	_ =	shalt  }
0x52: {  	_ =	shalt  }
0x53: {  	_ =	shalt  }
0x54: {  	_ =	shalt  }
0x55: {  	_ =	shalt  }
0x56: {  	_ =	shalt  }
0x57: {  	_ =	shalt  }
0x58: {  	_ =	shalt  }
0x59: {  	_ =	shalt  }
0x5a: {  	_ =	shalt  }
0x5b: {  	_ =	shalt  }
0x5c: {  	_ =	shalt  }
0x5d: {  	_ =	shalt  }
0x5e: {  	_ =	shalt  }
0x5f: {  	_ =	shalt  }
0x60: {  	_ =	shalt  }
0x61: {  	_ =	shalt  }
0x62: {  	_ =	shalt  }
0x63: {  	_ =	shalt  }
0x64: {  	_ =	shalt  }
0x65: {  	_ =	shalt  }
0x66: {  	_ =	shalt  }
0x67: {  	_ =	shalt  }
0x68: {  	_ =	shalt  }
0x69: {  	_ =	shalt  }
0x6a: {  	_ =	shalt  }
0x6b: {  	_ =	shalt  }
0x6c: {  	_ =	shalt  }
0x6d: {  	_ =	shalt  }
0x6e: {  	_ =	shalt  }
0x6f: {  	_ =	shalt  }
0x70: {  	_ =	shalt  }
0x71: {  	_ =	shalt  }
0x72: {  	_ =	shalt  }
0x73: {  	_ =	shalt  }
0x74: {  	_ =	shalt  }
0x75: {  	_ =	shalt  }
0x76: {  	_ =	shalt  }
0x77: {  	_ =	shalt  }
0x78: {  	_ =	shalt  }
0x79: {  	_ =	shalt  }
0x7a: {  	_ =	shalt  }
0x7b: {  	_ =	shalt  }
0x7c: {  	_ =	shalt  }
0x7d: {  	_ =	shalt  }
0x7e: {  	_ =	shalt  }
0x7f: {  	_ =	shalt  }
0x80: {  	_ =	shalt  }
0x81: {  	_ =	shalt  }
0x82: {  	_ =	shalt  }
0x83: {  	_ =	shalt  }
0x84: {  	_ =	shalt  }
0x85: {  	_ =	shalt  }
0x86: {  	_ =	shalt  }
0x87: {  	_ =	shalt  }
.Lfunc_end0:
.L_simem_size_0:
called_computation_lowered:
.L_overlay_start_0:
0x88: {  	s2 =	sld [smem:$0x3FD9]  }
0x89: {  	s3 =	sld [smem:$0x3FFE];
	_ =	sdelay $0x1  }
0x8a: {  	s1 =	srdreg.scid  }
0x8b: {  	s0 =	sand.u32 $0x1, s1  }
0x8c: {  	s18 =	sshll.u32 s0, $0xA;
	s2 =	sadd.s32 s3, s2  }
0x8d: {  	s2 =	sadd.s32 s2, s18  }
0x8e: {  	[smem:$0x3FC6] =	sst s2  }
0x8f: {  	_ = 	snop  }
0x90: {  	s2 =	sld [smem:$0x3FC9]  }
0x91: {  	s19 =	sld [smem:$0x3FC8]  }
0x92: {  	s4 =	sld [smem:$0x3FD0];
	(tm) =	ssettm $0x1  }
0x93: {  	s5 =	sld [smem:$0x3FFB];
	_ =	sdelay $0x3  }
0x94: {  	_ =	strace s5  }
0x95: {  	s5 =	sld [smem:$0x3FFC];
	_ =	sdelay $0x3  }
0x96: {  	_ =	strace s5  }
0x97: {  	s5 =	sld [smem:$0x3FFD];
	_ =	sdelay $0x3  }
0x98: {  	_ =	strace s5  }
0x99: {  	_ =	strace $0x8FFFFFFF  }
0x9a: {  	s20 =	sld [smem:$0x3FDB];
	_ =	sdelay $0x1  }
0x9b: {  	s6 =	simm.s32 $_scs_section_size  }
0x9c: {  	s7 =	simm.s32 $_size__tile_overlayer_lowered;
	s8 =	simm.s32 $_tile_overlayer_lowered  }
0x9d: {  	s23 =	simm.s32 $0x1BFF;
	s22 =	sshll.u32 s8, $0x1;
	s5 =	sadd.s32 s6, s20  }
0x9e: {  	s9 =	simm.s32 $0x0;
	s21 =	sshll.u32 s7, $0x1;
	s7 =	sadd.s32 s22, s5  }
0x9f: {  	[timem:s9], [sflag:s23] =	dma.local [hbm:s7], s21  }
0xa0: {  	_ =	swait.ge [sflag:s23], s21  }
0xa1: {  	s6 =	ssub.s32 $0x0, s21;
	[sflag:s23] =	ssyncset.done $0x0  }
0xa2: {  	[sflag:s23] =	ssyncadd.s32 s6;
	_ =	sdelay $0x1  }
0xa3: {  	s24 =	simm.s32 $0x1B8B  }
0xa4: {  	_ =	swait.ge [sflag:s24], $0x1  }
0xa5: {  	[sflag:s24] =	ssyncset.done $0x0  }
0xa6: {  	s25 =	simm.s32 $0x1B8E;
	[sflag:s24] =	ssyncadd.s32 $0xFFFFFFFF  }
0xa7: {  	s26 =	simm.s32 $execute0_lowered;
	[smem:$0x3FD2] =	sst s25  }
0xa8: {  	s6 =	sshll.u32 s26, $0x1;
	_ =	strace $0x80000046;
	[dreg:$0x1] =	wrdreg $0xFFFFFFFF  }
0xa9: {  	s28 =	simm.s32 $_size_execute0_lowered;
	s5 =	sadd.s32 s5, s6;
	[dreg:$0x0] =	wrdreg $0x0  }
0xaa: {  	s6 =	sshll.u32 s28, $0x1;
	[dreg:$0x2] =	wrdreg s5  }
0xab: {  	[dreg:$0x3] =	wrdreg s6  }
0xac: {  	[dreg:$0x4] =	wrdreg $0xC0  }
0xad: {  	_ =	task [dreg:s9], $0x5FFFF  }
0xae: {  	[dreg:$0x1] =	wrdreg $0xFFFFFFFF  }
0xaf: {  	[dreg:$0x0] =	wrdreg $0x60  }
0xb0: {  	[dreg:$0x2] =	wrdreg s2  }
0xb1: {  	[dreg:$0x3] =	wrdreg s19  }
0xb2: {  	[dreg:$0x4] =	wrdreg s4  }
0xb3: {  	[dreg:$0x5] =	wrdreg $0x9  }
0xb4: {  	_ =	task.clear_ibuf [dreg:s9], $0x6FFFF;
	_ =	strace $0x90000046  }
0xb5: {  	s29 =	simm.s32 $0x9;
	_ =	strace $0x80000048  }
0xb6: {  	_ =	swait.ge [sflag:s29], $0x1  }
0xb7: {  	[sflag:s29] =	ssyncadd.s32 $0xFFFFFFFF  }
0xb8: {  	_ =	strace $0x90000048  }
0xb9: {  	_ =	sfence  }
0xba: {  	s30 =	sld [smem:$0x0];
	_ =	sdelay $0x2  }
0xbb: {  	s31 =	sshll.u32 s1, $0xD;
	s1 =	sshrl.u32 s1, $0x2  }
0xbc: {  	s3 =	sand.u32 $0x4000, s31;
	s1 =	sadd.s32 s1, s30  }
0xbd: {  	s0 =	sor.u32 s3, s0;
	s1 =	sshll.u32 s1, $0x11  }
0xbe: {  	s0 =	sor.u32 s1, s0  }
0xbf: {  	s0 =	sadd.s32 $0x8F2B, s0  }
0xc0: {  	[sflag:s0] =	ssyncadd.remote.s32 $0x1  }
0xc1: {  	_ =	sfence.sel $0xFFFF  }
0xc2: {  	[dreg:$0x0] =	wrdreg $0xFFFFFFFF;
	(pc) =	sbr.abs _section_cstart, $3  }
0xc3: {  	[dreg:$0x1] =	wrdreg $0xFFFFFFFF  }
0xc4: {  	_ =	task.clear_ibuf [dreg:s9], $0x2FFFF;
	_ =	strace $0x9FFFFFFF  }
0xc5: {  	(tm) =	ssettm $0x7FFFFFFF  }
tec
execute0_lowered:
.L_overlay_start_1:
0x0: {  	(tag) =	ssettag $0x1  }
0x1: {  	s0 =	rddreg [dreg:$0x0]  }
0x2: {  	s2 =	rddreg [dreg:$0x1];
	s9 =	stileid.u32  }
0x3: {  	s1 =	rddreg [dreg:$0x2];
	s3 =	srdreg.scid;
	s18 =	simm.s32 $0x80  }
0x4: {  	s19 =	simm.s32 $0x7;
	s20 =	simm.s32 $0x2100;
	s21 =	simm.s32 $0x2500  }
0x5: {  	s28 =	simm.s32 $0x2;
	s29 =	simm.s32 $0x4;
	s31 =	simm.s32 $0x3  }
0x6: {  	s4 =	sshll.u32 s9, $0x1;
	s14 =	sand.u32 $0x1, s3;
	s3 =	simm.s32 $0x0  }
0x7: {  	s5 =	sshrl.u32 s9, $0x2;
	s26 =	sand.u32 $0x3, s9;
	s4 =	sand.u32 $0x6, s4  }
0x8: {  	[smem:$0x7FF] =	sst s3;
	s6 =	sshll.u32 s5, $0x11;
	s7 =	ssub.s32 $0x2, s14  }
0x9: {  	s5 =	sshll.u32 s5, $0x4;
	s12 =	sshll.u32 s26, $0xD;
	s13 =	sshll.u32 s14, $0xC  }
0xa: {  	s16 =	sshll.u32 s14, $0xA;
	s4 =	sor.u32 s14, s4;
	_ =	strace $0x80000047  }
0xb: {  	s22 =	sshrl.u32 s7, $0x1;
	s0 =	sadd.s32 s0, s5;
	s15 =	sor.u32 s13, s12  }
0xc: {  	s4 =	sshll.u32 s4, $0xE;
	s23 =	ssub.s32 s7, s22;
	[dreg:$0x4] =	wrdreg s0  }
0xd: {  	s30 =	sor.u32 $0x210, s15;
	s0 =	sshll.u32 s26, $0xB;
	s17 =	sor.u32 $0x410, s15  }
0xe: {  	s26 =	simm.s32 $0xA500;
	s4 =	sor.u32 s6, s4;
	s13 =	smax.u32 s23, $0x1  }
0xf: {  	s14 =	sshrl.u32 s30, $0x2;
	s15 =	sor.u32 s16, s0;
	s16 =	sshrl.u32 s17, $0x2  }
0x10: {  	s23 =	simm.s32 $0x6500;
	s17 =	simm.s32 $0x6;
	s4 =	sadd.s32 s1, s4  }
0x11: {  	s0 =	simm.s32 $0x0;
	s1 =	simm.s32 $0x5;
	s24 =	sadd.s32 $0x800, s4  }
0x12: {  	s25 =	sadd.s32 $0x1000, s4;
	s8 =	sadd.s32 $0x1800, s4;
	s9 =	sadd.s32 $0x2000, s4  }
0x13: {  	s10 =	sadd.s32 $0x2800, s4;
	s11 =	sadd.s32 $0x3000, s4;
	[dreg:$0x5] =	wrdreg s24  }
0x14: {  	v0 =	vimm.s32 $0x0;
	s12 =	sadd.s32 $0x3800, s4;
	[dreg:$0x6] =	wrdreg s25;
	s24 =	simm.s32 $0x1  }
.LBB2_1:
0x15: {  	[tilespmem:$0x0] =	vst v0  }
0x16: {  	[tilespmem:$0x10] =	vst v0  }
0x17: {  	[tilespmem:$0x20] =	vst v0  }
0x18: {  	[tilespmem:$0x30] =	vst v0  }
0x19: {  	[tilespmem:$0x40] =	vst v0  }
0x1a: {  	[tilespmem:$0x50] =	vst v0  }
0x1b: {  	[tilespmem:$0x60] =	vst v0  }
0x1c: {  	[tilespmem:$0x70] =	vst v0  }
0x1d: {  	[tilespmem:$0x2080] =	vst v0;
	s5 =	rddreg [dreg:$0x4];
	s6 =	simm.s32 $0x200  }
0x1e: {  	[tilespmem:s18], [sflag:$0x7] =	stream.strided.gather [hbm4b:s5+s18], $0x2000, s6, s18, $0x38;
	[tilespmem:$0xE500] =	vst v63  }
0x1f: {  	_ =	swait.ge [sflag:s19], $0x2000  }
0x20: {  	[sflag:s19] =	ssyncset.done $0x0  }
0x21: {  	[sflag:s19] =	ssyncadd.s32 $0xFFFFE000  }
0x22: {  	v1 =	vld [tilespmem:s14+$0xFFFFFFFB]  }
0x23: {  	v2 =	vld [tilespmem:s14+$0xFFFFFFF9]  }
0x24: {  	v3 =	vld [tilespmem:s14+$0xFFFFFFFA]  }
0x25: {  	v5 =	vld [tilespmem:s14+$0xFFFFFFFC]  }
0x26: {  	v6 =	vld [tilespmem:s14+$0xFFFFFFFD]  }
0x27: {  	v7 =	vld [tilespmem:s14+$0xFFFFFFFE]  }
0x28: {  	v8 =	vld [tilespmem:s14+$0xFFFFFFFF]  }
0x29: {  	s22 =	sadd.s32 $0x10, s14;
	v9 =	vld [tilespmem:s14+$0x0];
	v2 =	vshll.u32 v2, $0x4;
	v3 =	vshll.u32 v3, $0x2  }
0x2a: {  	v4 =	vld [tilespmem:s22+$0xFFFFFFFB];
	v2 =	vadd.s32 v2, v3  }
0x2b: {  	v10 =	vld [tilespmem:s22+$0xFFFFFFF9];
	v3 =	vshll.u32 v6, $0x4;
	v1 =	vadd.s32 v1, v2;
	v2 =	vshll.u32 v5, $0x6  }
0x2c: {  	v11 =	vld [tilespmem:s22+$0xFFFFFFFA];
	v5 =	vshll.u32 v7, $0x2;
	v1 =	vshll.u32 v1, $0x8;
	v3 =	vadd.s32 v3, v2  }
0x2d: {  	v6 =	vld [tilespmem:s22+$0xFFFFFFFD];
	v1 =	vadd.s32 v3, v1;
	v3 =	vadd.s32 v5, v8  }
0x2e: {  	v2 =	vld [tilespmem:s22+$0xFFFFFFFC];
	v1 =	vadd.s32 v1, v3  }
0x2f: {  	v5 =	vld [tilespmem:s22+$0xFFFFFFFE];
	v1 =	vshll.u32 v1, $0x2  }
0x30: {  	v3 =	vld [tilespmem:s22+$0xFFFFFFFF];
	v9 =	vadd.s32 v9, v1  }
0x31: {  	s25 =	simm.s32 $0x10;
	s30 =	sadd.s32 $0x10, s22;
	v7 =	vshll.u32 v10, $0x4;
	v8 =	vshll.u32 v11, $0x2;
	v1 =	vld [tilespmem:s22+$0x0];
	s22 =	simm.s32 $0x2100;
	[tilespmem:s20+$0x0] =	vst v9  }
.LBB2_2:
0x32: {  	v9 =	vld [tilespmem:s30+$0xFFFFFFFB];
	v7 =	vadd.s32 v7, v8  }
0x33: {  	v2 =	vshll.u32 v2, $0x6;
	s25 =	sadd.s32 $0x10, s25;
	v8 =	vld [tilespmem:s30+$0xFFFFFFF9];
	v4 =	vadd.s32 v4, v7;
	v6 =	vshll.u32 v6, $0x4  }
0x34: {  	p0 =	slt.u32 s25, $0x70;
	v10 =	vld [tilespmem:s30+$0xFFFFFFFA];
	v4 =	vshll.u32 v4, $0x8;
	v6 =	vadd.s32 v6, v2;
	v5 =	vshll.u32 v5, $0x2  }
.Ltmp0:
0x35: {  	v2 =	vld [tilespmem:s30+$0xFFFFFFFC];
	v11 =	vadd.s32 v6, v4;
	v3 =	vadd.s32 v5, v3;
	(pc) =	sbr.rel @p0 .LBB2_2-.Ltmp0, $4  }
0x36: {  	v6 =	vld [tilespmem:s30+$0xFFFFFFFD];
	v3 =	vadd.s32 v11, v3  }
0x37: {  	v5 =	vld [tilespmem:s30+$0xFFFFFFFE];
	v7 =	vshll.u32 v3, $0x2;
	v4 =	vmov v9  }
0x38: {  	s22 =	sadd.s32 $0x10, s22;
	v3 =	vld [tilespmem:s30+$0xFFFFFFFF];
	v9 =	vadd.s32 v1, v7  }
0x39: {  	v7 =	vshll.u32 v8, $0x4;
	v8 =	vshll.u32 v10, $0x2;
	v1 =	vld [tilespmem:s30+$0x0];
	s30 =	sadd.s32 $0x10, s30;
	[tilespmem:s22+$0x0] =	vst v9  }
0x3a: {  	v7 =	vadd.s32 v7, v8  }
0x3b: {  	v2 =	vshll.u32 v2, $0x6;
	v4 =	vadd.s32 v4, v7;
	v6 =	vshll.u32 v6, $0x4  }
0x3c: {  	v4 =	vshll.u32 v4, $0x8;
	v2 =	vadd.s32 v6, v2;
	v5 =	vshll.u32 v5, $0x2  }
0x3d: {  	v2 =	vadd.s32 v2, v4;
	v3 =	vadd.s32 v5, v3  }
0x3e: {  	v2 =	vadd.s32 v2, v3  }
0x3f: {  	v2 =	vshll.u32 v2, $0x2  }
0x40: {  	s22 =	sadd.s32 $0x10, s22;
	v1 =	vadd.s32 v1, v2  }
0x41: {  	s6 =	simm.s32 $0x80;
	[tilespmem:s22+$0x0] =	vst v1  }
0x42: {  	[tilespmem:s21], [sflag:$0x1] =	stream.indirect.gather [hbm4b:s2+s6], $0x80, s20, s6, $0xb8;
	[tilespmem:$0xE500] =	vst v63  }
0x43: {  	s25 =	sadd.s32 $0x80, s15;
	v2 =	vld [tilespmem:s16+$0xFFFFFFFD]  }
0x44: {  	s25 =	sand.u32 $0x1F80, s25;
	s22 =	sand.u32 $0x70, s6;
	v1 =	vld [tilespmem:s16+$0xFFFFFFFA]  }
0x45: {  	s22 =	sor.u32 s22, s25;
	v3 =	vld [tilespmem:s16+$0xFFFFFFF9]  }
0x46: {  	v4 =	vld [tilespmem:s22+$0x80]  }
0x47: {  	v5 =	vld [tilespmem:s16+$0xFFFFFFFB]  }
0x48: {  	v7 =	vld [tilespmem:s16+$0xFFFFFFFE]  }
0x49: {  	v8 =	vld [tilespmem:s16+$0xFFFFFFFF]  }
0x4a: {  	v9 =	vld [tilespmem:s16+$0x0];
	s22 =	sadd.s32 $0x10, s16;
	v6 =	vshll.u32 v1, $0x2;
	v3 =	vshll.u32 v3, $0x4  }
0x4b: {  	s7 =	simm.s32 $0x90;
	s30 =	sadd.s32 $0x90, s15;
	v10 =	vld [tilespmem:s22+$0xFFFFFFFA];
	v3 =	vadd.s32 v3, v6  }
0x4c: {  	s30 =	sand.u32 $0x1F80, s30;
	s25 =	sand.u32 $0x70, s7;
	v1 =	vld [tilespmem:s22+$0xFFFFFFFD];
	v4 =	vshll.u32 v4, $0x6;
	v2 =	vshll.u32 v2, $0x4;
	v3 =	vadd.s32 v5, v3  }
0x4d: {  	s25 =	sor.u32 s25, s30;
	v2 =	vadd.s32 v2, v4;
	v6 =	vld [tilespmem:s22+$0xFFFFFFF9];
	v4 =	vshll.u32 v7, $0x2;
	v3 =	vshll.u32 v3, $0x8  }
0x4e: {  	v5 =	vld [tilespmem:s25+$0x80];
	v2 =	vadd.s32 v2, v3;
	v3 =	vadd.s32 v4, v8  }
0x4f: {  	v4 =	vld [tilespmem:s22+$0xFFFFFFFB];
	v3 =	vadd.s32 v2, v3  }
0x50: {  	v2 =	vld [tilespmem:s22+$0xFFFFFFFE];
	v7 =	vshll.u32 v3, $0x2  }
0x51: {  	s30 =	simm.s32 $0xA0;
	s25 =	simm.s32 $0x2180;
	v8 =	vshll.u32 v10, $0x2;
	v3 =	vld [tilespmem:s22+$0xFFFFFFFF];
	v7 =	vadd.s32 v9, v7  }
.LBB2_4:
0x52: {  	v9 =	vld [tilespmem:s22+$0x0];
	s22 =	sadd.s32 $0x10, s22  }
0x53: {  	v6 =	vshll.u32 v6, $0x4;
	[tilespmem:s25+$0x0] =	vst v7;
	s25 =	sadd.s32 $0x10, s25;
	s5 =	smov.u32 s30;
	s6 =	sadd.s32 $0x10, s30  }
0x54: {  	p0 =	slt.u32 s30, $0x3F0;
	v7 =	vshll.u32 v1, $0x4;
	s7 =	sadd.s32 s5, s15;
	v6 =	vadd.s32 v6, v8;
	v5 =	vshll.u32 v5, $0x6;
	v1 =	vld [tilespmem:s22+$0xFFFFFFFD]  }
0x55: {  	s5 =	sand.u32 $0x70, s5;
	v8 =	vld [tilespmem:s22+$0xFFFFFFFA];
	s7 =	sand.u32 $0x1F80, s7;
	v4 =	vadd.s32 v4, v6;
	v7 =	vadd.s32 v7, v5  }
.Ltmp1:
0x56: {  	v6 =	vld [tilespmem:s22+$0xFFFFFFF9];
	s5 =	sor.u32 s5, s7;
	v4 =	vshll.u32 v4, $0x8;
	v2 =	vshll.u32 v2, $0x2;
	(pc) =	sbr.rel @p0 .LBB2_4-.Ltmp1, $4  }
0x57: {  	v5 =	vld [tilespmem:s5+$0x80];
	v7 =	vadd.s32 v7, v4;
	v2 =	vadd.s32 v2, v3  }
0x58: {  	v4 =	vld [tilespmem:s22+$0xFFFFFFFB];
	v3 =	vadd.s32 v7, v2  }
0x59: {  	v2 =	vld [tilespmem:s22+$0xFFFFFFFE];
	v7 =	vshll.u32 v3, $0x2  }
0x5a: {  	s30 =	smov.u32 s6;
	v8 =	vshll.u32 v8, $0x2;
	v3 =	vld [tilespmem:s22+$0xFFFFFFFF];
	v7 =	vadd.s32 v9, v7  }
0x5b: {  	v6 =	vshll.u32 v6, $0x4  }
0x5c: {  	v6 =	vadd.s32 v6, v8  }
0x5d: {  	v63 =	vld [tilespmem:s22+$0x0];
	v1 =	vshll.u32 v1, $0x4;
	v5 =	vshll.u32 v5, $0x6;
	v4 =	vadd.s32 v4, v6  }
0x5e: {  	v1 =	vadd.s32 v1, v5;
	v4 =	vshll.u32 v4, $0x8;
	v2 =	vshll.u32 v2, $0x2  }
0x5f: {  	v1 =	vadd.s32 v1, v4;
	v2 =	vadd.s32 v2, v3  }
0x60: {  	v1 =	vadd.s32 v1, v2  }
0x61: {  	v1 =	vshll.u32 v1, $0x2  }
0x62: {  	[tilespmem:s25+$0x0] =	vst v7;
	s5 =	sadd.s32 $0x10, s25;
	v1 =	vadd.s32 v63, v1  }
0x63: {  	s7 =	simm.s32 $0x2180;
	[tilespmem:s5+$0x0] =	vst v1  }
0x64: {  	[tilespmem:s23], [sflag:$0x2] =	stream.indirect.gather [hbm4b:s2+s18], $0x80, s7, s18, $0xb8;
	[tilespmem:$0xE500] =	vst v63  }
0x65: {  	_ =	swait.ge [sflag:s24], $0x4000  }
0x66: {  	[sflag:s24] =	ssyncset.done $0x0  }
0x67: {  	[sflag:s24] =	ssyncadd.s32 $0xFFFFC000  }
0x68: {  	[hbm4b:s4+s3] =	stream.linear.scatter [tilespmem:s21], [sflag:$0x4], $0x4000, $0x38;
	[tilespmem:$0xE500] =	vst v63  }
0x69: {  	s22 =	simm.s32 $0x2200  }
0x6a: {  	[tilespmem:s26], [sflag:$0x3] =	stream.indirect.gather [hbm4b:s2+s18], $0x80, s22, s18, $0xb8;
	[tilespmem:$0xE500] =	vst v63  }
0x6b: {  	_ =	swait.ge [sflag:s28], $0x4000  }
0x6c: {  	[sflag:s28] =	ssyncset.done $0x0  }
0x6d: {  	s25 =	rddreg [dreg:$0x5];
	[sflag:s28] =	ssyncadd.s32 $0xFFFFC000  }
0x6e: {  	[hbm4b:s25+s3] =	stream.linear.scatter [tilespmem:s23], [sflag:$0x5], $0x4000, $0x38;
	[tilespmem:$0xE500] =	vst v63  }
0x6f: {  	_ =	swait.ge [sflag:s29], $0x4000  }
0x70: {  	[sflag:s29] =	ssyncset.done $0x0  }
0x71: {  	s30 =	simm.s32 $0x2280;
	[sflag:s29] =	ssyncadd.s32 $0xFFFFC000  }
0x72: {  	[tilespmem:s21], [sflag:$0x1] =	stream.indirect.gather [hbm4b:s2+s18], $0x80, s30, s18, $0xb8;
	[tilespmem:$0xE500] =	vst v63  }
0x73: {  	_ =	swait.ge [sflag:s31], $0x4000  }
0x74: {  	[sflag:s31] =	ssyncset.done $0x0  }
0x75: {  	s6 =	rddreg [dreg:$0x6];
	[sflag:s31] =	ssyncadd.s32 $0xFFFFC000  }
0x76: {  	[hbm4b:s6+s3] =	stream.linear.scatter [tilespmem:s26], [sflag:$0x6], $0x4000, $0x38;
	[tilespmem:$0xE500] =	vst v63  }
0x77: {  	_ =	swait.ge [sflag:s1], $0x4000  }
0x78: {  	[sflag:s1] =	ssyncset.done $0x0  }
0x79: {  	s7 =	simm.s32 $0x2300;
	[sflag:s1] =	ssyncadd.s32 $0xFFFFC000  }
0x7a: {  	[tilespmem:s23], [sflag:$0x2] =	stream.indirect.gather [hbm4b:s2+s18], $0x80, s7, s18, $0xb8;
	[tilespmem:$0xE500] =	vst v63  }
0x7b: {  	_ =	swait.ge [sflag:s24], $0x4000  }
0x7c: {  	[sflag:s24] =	ssyncset.done $0x0  }
0x7d: {  	[sflag:s24] =	ssyncadd.s32 $0xFFFFC000  }
0x7e: {  	[hbm4b:s8+s3] =	stream.linear.scatter [tilespmem:s21], [sflag:$0x4], $0x4000, $0x38;
	[tilespmem:$0xE500] =	vst v63  }
0x7f: {  	_ =	swait.ge [sflag:s17], $0x4000  }
0x80: {  	[sflag:s17] =	ssyncset.done $0x0  }
0x81: {  	s22 =	simm.s32 $0x2380;
	[sflag:s17] =	ssyncadd.s32 $0xFFFFC000  }
0x82: {  	[tilespmem:s26], [sflag:$0x3] =	stream.indirect.gather [hbm4b:s2+s18], $0x80, s22, s18, $0xb8;
	[tilespmem:$0xE500] =	vst v63  }
0x83: {  	_ =	swait.ge [sflag:s28], $0x4000  }
0x84: {  	[sflag:s28] =	ssyncset.done $0x0  }
0x85: {  	[sflag:s28] =	ssyncadd.s32 $0xFFFFC000  }
0x86: {  	[hbm4b:s9+s3] =	stream.linear.scatter [tilespmem:s23], [sflag:$0x5], $0x4000, $0x38;
	[tilespmem:$0xE500] =	vst v63  }
0x87: {  	_ =	swait.ge [sflag:s29], $0x4000  }
0x88: {  	[sflag:s29] =	ssyncset.done $0x0  }
0x89: {  	s25 =	simm.s32 $0x2400;
	[sflag:s29] =	ssyncadd.s32 $0xFFFFC000  }
0x8a: {  	[tilespmem:s21], [sflag:$0x1] =	stream.indirect.gather [hbm4b:s2+s18], $0x80, s25, s18, $0xb8;
	[tilespmem:$0xE500] =	vst v63  }
0x8b: {  	_ =	swait.ge [sflag:s31], $0x4000  }
0x8c: {  	[sflag:s31] =	ssyncset.done $0x0  }
0x8d: {  	[sflag:s31] =	ssyncadd.s32 $0xFFFFC000  }
0x8e: {  	[hbm4b:s10+s3] =	stream.linear.scatter [tilespmem:s26], [sflag:$0x6], $0x4000, $0x38;
	[tilespmem:$0xE500] =	vst v63  }
0x8f: {  	_ =	swait.ge [sflag:s1], $0x4000  }
0x90: {  	[sflag:s1] =	ssyncset.done $0x0  }
0x91: {  	s30 =	simm.s32 $0x2480;
	[sflag:s1] =	ssyncadd.s32 $0xFFFFC000  }
0x92: {  	[tilespmem:s23], [sflag:$0x2] =	stream.indirect.gather [hbm4b:s2+s18], $0x80, s30, s18, $0xb8;
	[tilespmem:$0xE500] =	vst v63  }
0x93: {  	_ =	swait.ge [sflag:s24], $0x4000  }
0x94: {  	[sflag:s24] =	ssyncset.done $0x0  }
0x95: {  	[sflag:s24] =	ssyncadd.s32 $0xFFFFC000  }
0x96: {  	[hbm4b:s11+s3] =	stream.linear.scatter [tilespmem:s21], [sflag:$0x4], $0x4000, $0x38;
	[tilespmem:$0xE500] =	vst v63  }
0x97: {  	_ =	swait.ge [sflag:s28], $0x4000  }
0x98: {  	[sflag:s28] =	ssyncset.done $0x0  }
0x99: {  	[sflag:s28] =	ssyncadd.s32 $0xFFFFC000  }
0x9a: {  	[hbm4b:s12+s3] =	stream.linear.scatter [tilespmem:s23], [sflag:$0x5], $0x4000, $0x38;
	[tilespmem:$0xE500] =	vst v63  }
0x9b: {  	_ =	swait.ge [sflag:s17], $0x4000  }
0x9c: {  	[sflag:s17] =	ssyncset.done $0x0  }
0x9d: {  	s0 =	sadd.s32 $0x1, s0;
	[sflag:s17] =	ssyncadd.s32 $0xFFFFC000  }
0x9e: {  	p0 =	sne.s32 s0, s13;
	_ =	swait.ge [sflag:s29], $0x4000  }
.Ltmp2:
0x9f: {  	[sflag:s29] =	ssyncset.done $0x0;
	(pc) =	sbr.rel @p0 .LBB2_1-.Ltmp2, $4  }
0xa0: {  	[sflag:s29] =	ssyncadd.s32 $0xFFFFC000  }
0xa1: {  	_ =	swait.ge [sflag:s1], $0x4000  }
0xa2: {  	[sflag:s1] =	ssyncset.done $0x0  }
0xa3: {  	[sflag:s1] =	ssyncadd.s32 $0xFFFFC000  }
0xa4: {  	_ =	sfence.sel $0x180000  }
0xa5: {  	[bflag:$0x0] =	sbarrier.arrive $0xFFFF  }
0xa6: {  	_ =	strace $0x90000047  }
0xa7: {  	s0 =	stileid.u32;
	[bflag:$0x2] =	sbarrier.arrive $0xFFFF  }
0xa8: {  	p0 =	sne.s32 s0, $0x0;
	s0 =	rddreg [dreg:$0x3]  }
0xa9: {  	s0 =	sadd.s32 @!p0 $0x100000, s0  }
0xaa: {  	[sflag:s0] =	ssyncadd.tile.s32 @!p0 $0x1;
	_ =	shalt  }
.Lfunc_end2:
_tile_overlayer_lowered:
.L_overlay_start_2:
0xab: {  	(tag) =	ssettag $0x2  }
0xac: {  	s0 =	rddreg [dreg:$0x0];
	s2 =	stileid.u32  }
0xad: {  	s1 =	rddreg [dreg:$0x1];
	p0 =	sne.s32 s2, $0x0  }
0xae: {  	s3 =	rddreg [dreg:$0x2];
	[bflag:$0x3] =	sbarrier.arrive $0xFFFF;
	s2 =	simm.s32 @!p0 $0x1C07  }
0xaf: {  	[timem:s3], [sflag:s2] =	dma.local @!p0 [hbm:s0], s1  }
0xb0: {  	s0 =	simm.s32 @!p0 $0x7  }
0xb1: {  	_ =	swait.ge @!p0 [sflag:s0], s1  }
0xb2: {  	s1 =	ssub.s32 @!p0 $0x0, s1;
	[sflag:s0] =	ssyncset.done @!p0 $0x0  }
0xb3: {  	[sflag:s0] =	ssyncadd.s32 @!p0 s1  }
0xb4: {  	[bflag:$0x3] =	sbarrier.arrive $0xFFFF  }
0xb5: {  	_ =	shalt  }

</sc_bundles>
